<compile_context>
chip_gen: v7x
topology: tpu7x:2x2x1
jax: 0.10.2.dev20260603
libtpu: 0.0.44.dev20260713+nightly
codegen_flags: <defaults>
</compile_context>

<pallas_src>
import functools

import jax
import jax.numpy as jnp
from jax import lax
from jax.experimental import pallas as pl
from jax.experimental.pallas import tpu as pltpu
from jax.experimental.pallas import tpu_sc as plsc

N = 10000
E = 320000
D = 128
DC = 64

NC = 2
NS = 16
K = 128
C = 160
PHASES = 2
CP = C // PHASES
NSLOT = 2
EPT = K * C
E_PAD = NS * EPT
NPAD = 10112
RPT = NPAD // NS
DUMMY = N + 8
_RCHUNKS = [128, 128, 128, 128, 120]
_XROWS = 624

_mesh = plsc.VectorSubcoreMesh(core_axis_name="c", subcore_axis_name="s")


@functools.partial(
    pl.kernel,
    out_type=jax.ShapeDtypeStruct((NC, NS, RPT, DC), jnp.float32),
    mesh=_mesh,
    scratch_types=[
        pltpu.VMEM_SHARED((N, DC), jnp.float32),
        pltpu.VMEM_SHARED((NPAD, DC), jnp.float32),
        pltpu.VMEM((CP * K,), jnp.int32),
        [pltpu.VMEM((1, K), jnp.int32) for _ in range(NSLOT)],
        [pltpu.VMEM((K, DC), jnp.float32) for _ in range(NSLOT)],
        [pltpu.SemaphoreType.DMA for _ in range(2 * NSLOT)],
    ],
)
def _segment_sum_sc(xt_hbm, src_hbm, dst_hbm, zero_hbm, out_hbm,
                    xsp, acc, src_v, dbufs, bufs, sems):
    gsems = sems[0:NSLOT]
    dsems = sems[NSLOT:2 * NSLOT]
    c = lax.axis_index("c")
    s = lax.axis_index("s")

    xb = s * _XROWS
    pltpu.sync_copy(xt_hbm.at[c, pl.ds(xb, _XROWS)], xsp.at[pl.ds(xb, _XROWS)])

    @pl.when(s == 0)
    def _():
        xtail = NS * _XROWS
        pltpu.sync_copy(xt_hbm.at[c, pl.ds(xtail, N - xtail)],
                        xsp.at[pl.ds(xtail, N - xtail)])

    r0 = s * RPT
    pltpu.sync_copy(zero_hbm, bufs[1])
    off = 0
    for i, sz in enumerate(_RCHUNKS):
        pltpu.sync_copy(bufs[1].at[pl.ds(0, sz)], acc.at[pl.ds(r0 + off, sz)])
        off += sz

    plsc.subcore_barrier()

    def start_in(pbase, j, i):
        pltpu.async_copy(xsp.at[src_v.at[pl.ds(j * K, K)]], bufs[i], gsems[i])
        pltpu.async_copy(dst_hbm.at[pl.ds(s * C + pbase + j, 1)],
                         dbufs[i], dsems[i])

    def wait_in(i):
        pltpu.make_async_copy(xsp.at[src_v.at[pl.ds(0, K)]],
                              bufs[i], gsems[i]).wait()
        pltpu.make_async_copy(dst_hbm.at[pl.ds(0, 1)], dbufs[i],
                              dsems[i]).wait()

    def scat(i):
        pltpu.sync_copy(bufs[i], acc.at[dbufs[i].at[0]], add=True)

    for p in range(PHASES):
        pbase = p * CP
        pltpu.sync_copy(src_hbm.at[pl.ds(s * EPT + pbase * K, CP * K)], src_v)
        start_in(pbase, 0, 0)

        def body(t, carry, pbase=pbase):
            j0 = 2 * t
            j1 = j0 + 1
            start_in(pbase, j1, 1)
            wait_in(0)
            scat(0)

            @pl.when(j1 + 1 < CP)
            def _():
                start_in(pbase, j1 + 1, 0)

            wait_in(1)
            scat(1)
            return carry

        lax.fori_loop(0, CP // 2, body, 0)
    plsc.subcore_barrier()

    pltpu.sync_copy(acc.at[pl.ds(r0, RPT)], out_hbm.at[c, s])


def _mlp1_body(x_ref, p0_ref, p1_ref, w1_ref, b1_ref, w2_ref, b2_ref, o_ref):
    agg = jnp.concatenate([p0_ref[0], p1_ref[0]], axis=1)
    sm = x_ref[...] + agg
    h = jnp.dot(sm, w1_ref[...], preferred_element_type=jnp.float32)
    h = jnp.maximum(h + b1_ref[...], 0.0)
    o = jnp.dot(h, w2_ref[...], preferred_element_type=jnp.float32)
    o = jnp.maximum(o + b2_ref[...], 0.0)
    o_ref[0] = o[:, :DC]
    o_ref[1] = o[:, DC:]


def _mlp2_body(x_ref, h0_ref, h1_ref, p0_ref, p1_ref,
               w1_ref, b1_ref, w2_ref, b2_ref, o_ref):
    h1full = jnp.concatenate([h0_ref[0], h1_ref[0]], axis=1)
    agg = jnp.concatenate([p0_ref[0], p1_ref[0]], axis=1)
    sm = h1full + agg
    h = jnp.dot(sm, w1_ref[...], preferred_element_type=jnp.float32)
    h = jnp.maximum(h + b1_ref[...], 0.0)
    o = jnp.dot(h, w2_ref[...], preferred_element_type=jnp.float32)
    o = jnp.maximum(o + b2_ref[...], 0.0)
    o_ref[:, 0:D] = x_ref[...]
    o_ref[:, D:2 * D] = h1full
    o_ref[:, 2 * D:] = o


_BLK = 2000
_WSPECS = [
    pl.BlockSpec((D, D), lambda i: (0, 0)),
    pl.BlockSpec((1, D), lambda i: (0, 0)),
    pl.BlockSpec((D, D), lambda i: (0, 0)),
    pl.BlockSpec((1, D), lambda i: (0, 0)),
]
_PSPECS = [
    pl.BlockSpec((1, _BLK, DC), lambda i: (0, i, 0)),
    pl.BlockSpec((1, _BLK, DC), lambda i: (1, i, 0)),
]


def _mlp1_tc(x, parts, W1, b1, W2, b2):
    return pl.pallas_call(
        _mlp1_body,
        grid=(N // _BLK,),
        in_specs=[pl.BlockSpec((_BLK, D), lambda i: (i, 0))] + _PSPECS + _WSPECS,
        out_specs=pl.BlockSpec((NC, _BLK, DC), lambda i: (0, i, 0)),
        out_shape=jax.ShapeDtypeStruct((NC, N, DC), jnp.float32),
    )(x, parts, parts, W1, b1, W2, b2)


def _mlp2_tc(x, h1t, parts, W1, b1, W2, b2):
    return pl.pallas_call(
        _mlp2_body,
        grid=(N // _BLK,),
        in_specs=([pl.BlockSpec((_BLK, D), lambda i: (i, 0))]
                  + _PSPECS + _PSPECS + _WSPECS),
        out_specs=pl.BlockSpec((_BLK, 3 * D), lambda i: (i, 0)),
        out_shape=jax.ShapeDtypeStruct((N, 3 * D), jnp.float32),
    )(x, h1t, h1t, parts, parts, W1, b1, W2, b2)


def kernel(x, edge_index, W1a, b1a, W1b, b1b, W2a, b2a, W2b, b2b):
    pad = E_PAD - E
    src = jnp.concatenate([edge_index[0], jnp.zeros((pad,), jnp.int32)])
    dst = jnp.concatenate([edge_index[1], jnp.full((pad,), DUMMY, jnp.int32)])
    dst = dst.reshape(NS * C, K)
    zero = jnp.zeros((K, DC), jnp.float32)

    xt = jnp.stack([x[:, :DC], x[:, DC:]], axis=0)
    parts1 = _segment_sum_sc(xt, src, dst, zero).reshape(NC, NPAD, DC)
    h1t = _mlp1_tc(x, parts1, W1a, b1a.reshape(1, D), W1b, b1b.reshape(1, D))
    parts2 = _segment_sum_sc(h1t, src, dst, zero).reshape(NC, NPAD, DC)
    return _mlp2_tc(x, h1t, parts2,
                    W2a, b2a.reshape(1, D), W2b, b2b.reshape(1, D))

# --- scband reference (transcript-rebuilt; emitter-appended) ---
"""Pipeline reference for scband-gin-76390288327116 (READ-ONLY COPY).

The authoritative reference and input builder live on the scoring server;
editing this copy changes nothing except your own understanding.
"""

import jax, jax.numpy as jnp
import numpy as np

N = 10000
E = 320000
D = 128  # in_channels
H = 128  # MLP hid_dim
O = 128  # MLP out_dim


def _mlp(x, W1, b1, W2, b2):
    # MLP with num_hid=1 hidden layer, relu activations, output_activation='relu'
    h = jax.nn.relu(x @ W1 + b1)
    return jax.nn.relu(h @ W2 + b2)


def setup_inputs(seed: int = 0) -> dict:
    key = jax.random.key(seed)
    ks = jax.random.split(key, 12)
    x = jax.random.normal(ks[0], (N, D), dtype=jnp.float32)
    edge_index = jax.random.randint(ks[1], (2, E), 0, N, dtype=jnp.int32)
    # GIN layer 1 MLP params: in=D -> hid=H -> out=O
    W1a = jax.random.normal(ks[2], (D, H), dtype=jnp.float32) * 0.02
    b1a = jnp.zeros((H,), dtype=jnp.float32)
    W1b = jax.random.normal(ks[3], (H, O), dtype=jnp.float32) * 0.02
    b1b = jnp.zeros((O,), dtype=jnp.float32)
    # GIN layer 2 MLP params: in=O -> hid=H -> out=O
    W2a = jax.random.normal(ks[4], (O, H), dtype=jnp.float32) * 0.02
    b2a = jnp.zeros((H,), dtype=jnp.float32)
    W2b = jax.random.normal(ks[5], (H, O), dtype=jnp.float32) * 0.02
    b2b = jnp.zeros((O,), dtype=jnp.float32)
    return {"x": x, "edge_index": edge_index,
            "W1a": W1a, "b1a": b1a, "W1b": W1b, "b1b": b1b,
            "W2a": W2a, "b2a": b2a, "W2b": W2b, "b2b": b2b}


def reference(x, edge_index, W1a, b1a, W1b, b1b, W2a, b2a, W2b, b2b):
    src = edge_index[0]
    dst = edge_index[1]
    eps = 0.0
    x_cat = [x]  # skip_first_features=False
    # GINConv layer 1: out = MLP((1+eps)*x + sum_{j in N(i)} x_j)
    agg1 = jax.ops.segment_sum(x[src], dst, num_segments=x.shape[0])
    h1 = _mlp((1.0 + eps) * x + agg1, W1a, b1a, W1b, b1b)
    x_cat.append(h1)
    # GINConv layer 2
    agg2 = jax.ops.segment_sum(h1[src], dst, num_segments=h1.shape[0])
    h2 = _mlp((1.0 + eps) * h1 + agg2, W2a, b2a, W2b, b2b)
    x_cat.append(h2)
    # ChannelMLP_cfg is None -> no channel MLPs
    return jnp.concatenate(x_cat, axis=1)

if __name__ == "__main__":
    import jax
    _d = setup_inputs()
    print(jax.jit(kernel)(*tuple(_d.values())))

</pallas_src>

<mosaic_0001>
#map = affine_map<(d0, d1) -> (0, 0, 0)>
#map1 = affine_map<(d0, d1) -> (0)>
#map2 = affine_map<(d0, d1) -> (0, 0)>
#map3 = affine_map<(d0, d1) -> (0, 0, 0, 0)>
module attributes {stable_mosaic.version = 14 : i64} {
  func.func @_segment_sum_sc(%arg0: i32, %arg1: i32, %arg2: memref<2x10000x64xf32, #tpu.memory_space<hbm>>, %arg3: memref<327680xi32, #tpu.memory_space<hbm>>, %arg4: memref<2560x128xi32, #tpu.memory_space<hbm>>, %arg5: memref<128x64xf32, #tpu.memory_space<hbm>>, %arg6: memref<2x16x632x64xf32, #tpu.memory_space<hbm>>, %arg7: memref<10000x64xf32, #tpu.memory_space<vmem_shared>>, %arg8: memref<10112x64xf32, #tpu.memory_space<vmem_shared>>, %arg9: memref<10240xi32, #tpu.memory_space<vmem>>, %arg10: memref<1x128xi32, #tpu.memory_space<vmem>>, %arg11: memref<1x128xi32, #tpu.memory_space<vmem>>, %arg12: memref<128x64xf32, #tpu.memory_space<vmem>>, %arg13: memref<128x64xf32, #tpu.memory_space<vmem>>, %arg14: memref<!tpu.dma_semaphore, #tpu.memory_space<semaphore_mem>>, %arg15: memref<!tpu.dma_semaphore, #tpu.memory_space<semaphore_mem>>, %arg16: memref<!tpu.dma_semaphore, #tpu.memory_space<semaphore_mem>>, %arg17: memref<!tpu.dma_semaphore, #tpu.memory_space<semaphore_mem>>) attributes {dimension_semantics = [#tpu.dimension_semantics<core_parallel>, #tpu.dimension_semantics<subcore_parallel>], iteration_bounds = array<i64: 2, 16>, scalar_prefetch = 0 : i64, scratch_operands = 11 : i64, tpu.core_type = #tpu.core_type<sc_vector_subcore>, window_params = [{transform_indices = #map}, {transform_indices = #map1}, {transform_indices = #map2}, {transform_indices = #map2}, {transform_indices = #map3}]} {
    %mul3A = arith.constant 624 : i32
    %mul3A_0 = arith.muli %arg1, %mul3A : i32
    "tpu.region"() ({
      %run_scoped3A = tpu.sem_alloc : memref<!tpu.dma_semaphore, #tpu.memory_space<semaphore_mem>>
      %dma_start3A_63 = arith.constant 0 : i32
      %dma_start3A_64 = tpu.memref_slice %arg7[%mul3A_0, %dma_start3A_63] : memref<10000x64xf32, #tpu.memory_space<vmem_shared>> -> memref<624x64xf32, #tpu.memory_space<vmem_shared>>
      %dma_start3A_65 = arith.constant 0 : i32
      %dma_start3A_66 = tpu.memref_slice %arg2[%arg0, %mul3A_0, %dma_start3A_65] : memref<2x10000x64xf32, #tpu.memory_space<hbm>> -> memref<1x624x64xf32, #tpu.memory_space<hbm>>
      %dma_start3A_67 = tpu.memref_squeeze %dma_start3A_66 : memref<1x624x64xf32, #tpu.memory_space<hbm>> -> memref<624x64xf32, #tpu.memory_space<hbm>>
      tpu.enqueue_dma source(%dma_start3A_67 : memref<624x64xf32, #tpu.memory_space<hbm>>) target(%dma_start3A_64 : memref<624x64xf32, #tpu.memory_space<vmem_shared>>) target_semaphore(%run_scoped3A : memref<!tpu.dma_semaphore, #tpu.memory_space<semaphore_mem>>)
      %dma_wait3A = arith.constant 0 : i32
      %dma_wait3A_68 = tpu.memref_slice %arg7[%mul3A_0, %dma_wait3A] : memref<10000x64xf32, #tpu.memory_space<vmem_shared>> -> memref<624x64xf32, #tpu.memory_space<vmem_shared>>
      %dma_wait3A_69 = arith.constant 0 : i32
      %dma_wait3A_70 = tpu.memref_slice %arg2[%arg0, %mul3A_0, %dma_wait3A_69] : memref<2x10000x64xf32, #tpu.memory_space<hbm>> -> memref<1x624x64xf32, #tpu.memory_space<hbm>>
      %dma_wait3A_71 = tpu.memref_squeeze %dma_wait3A_70 : memref<1x624x64xf32, #tpu.memory_space<hbm>> -> memref<624x64xf32, #tpu.memory_space<hbm>>
      tpu.wait_dma2 semaphore(%run_scoped3A : memref<!tpu.dma_semaphore, #tpu.memory_space<semaphore_mem>>) src(%dma_wait3A_71 : memref<624x64xf32, #tpu.memory_space<hbm>>) dst(%dma_wait3A_68 : memref<624x64xf32, #tpu.memory_space<vmem_shared>>)
      tpu.yield
    }) : () -> ()
    %eq3A = arith.constant 0 : i32
    %eq3A_1 = arith.cmpi eq, %arg1, %eq3A : i32
    %convert_element_type3A = arith.extui %eq3A_1 : i1 to i32
    %cond3A = arith.constant 0 : i32
    %cond3A_2 = arith.cmpi ne, %convert_element_type3A, %cond3A : i32
    scf.if %cond3A_2 {
      "tpu.region"() ({
        %run_scoped3A = tpu.sem_alloc : memref<!tpu.dma_semaphore, #tpu.memory_space<semaphore_mem>>
        %dma_start3A_63 = arith.constant 9984 : i32
        %dma_start3A_64 = arith.constant 0 : i32
        %dma_start3A_65 = tpu.memref_slice %arg7[%dma_start3A_63, %dma_start3A_64] : memref<10000x64xf32, #tpu.memory_space<vmem_shared>> -> memref<16x64xf32, #tpu.memory_space<vmem_shared>>
        %dma_start3A_66 = arith.constant 9984 : i32
        %dma_start3A_67 = arith.constant 0 : i32
        %dma_start3A_68 = tpu.memref_slice %arg2[%arg0, %dma_start3A_66, %dma_start3A_67] : memref<2x10000x64xf32, #tpu.memory_space<hbm>> -> memref<1x16x64xf32, #tpu.memory_space<hbm>>
        %dma_start3A_69 = tpu.memref_squeeze %dma_start3A_68 : memref<1x16x64xf32, #tpu.memory_space<hbm>> -> memref<16x64xf32, #tpu.memory_space<hbm>>
        tpu.enqueue_dma source(%dma_start3A_69 : memref<16x64xf32, #tpu.memory_space<hbm>>) target(%dma_start3A_65 : memref<16x64xf32, #tpu.memory_space<vmem_shared>>) target_semaphore(%run_scoped3A : memref<!tpu.dma_semaphore, #tpu.memory_space<semaphore_mem>>)
        %dma_wait3A = arith.constant 9984 : i32
        %dma_wait3A_70 = arith.constant 0 : i32
        %dma_wait3A_71 = tpu.memref_slice %arg7[%dma_wait3A, %dma_wait3A_70] : memref<10000x64xf32, #tpu.memory_space<vmem_shared>> -> memref<16x64xf32, #tpu.memory_space<vmem_shared>>
        %dma_wait3A_72 = arith.constant 9984 : i32
        %dma_wait3A_73 = arith.constant 0 : i32
        %dma_wait3A_74 = tpu.memref_slice %arg2[%arg0, %dma_wait3A_72, %dma_wait3A_73] : memref<2x10000x64xf32, #tpu.memory_space<hbm>> -> memref<1x16x64xf32, #tpu.memory_space<hbm>>
        %dma_wait3A_75 = tpu.memref_squeeze %dma_wait3A_74 : memref<1x16x64xf32, #tpu.memory_space<hbm>> -> memref<16x64xf32, #tpu.memory_space<hbm>>
        tpu.wait_dma2 semaphore(%run_scoped3A : memref<!tpu.dma_semaphore, #tpu.memory_space<semaphore_mem>>) src(%dma_wait3A_75 : memref<16x64xf32, #tpu.memory_space<hbm>>) dst(%dma_wait3A_71 : memref<16x64xf32, #tpu.memory_space<vmem_shared>>)
        tpu.yield
      }) : () -> ()
    } else {
    }
    %mul3A_3 = arith.constant 632 : i32
    %mul3A_4 = arith.muli %arg1, %mul3A_3 : i32
    "tpu.region"() ({
      %run_scoped3A = tpu.sem_alloc : memref<!tpu.dma_semaphore, #tpu.memory_space<semaphore_mem>>
      tpu.enqueue_dma source(%arg5 : memref<128x64xf32, #tpu.memory_space<hbm>>) target(%arg13 : memref<128x64xf32, #tpu.memory_space<vmem>>) target_semaphore(%run_scoped3A : memref<!tpu.dma_semaphore, #tpu.memory_space<semaphore_mem>>)
      tpu.wait_dma2 semaphore(%run_scoped3A : memref<!tpu.dma_semaphore, #tpu.memory_space<semaphore_mem>>) src(%arg5 : memref<128x64xf32, #tpu.memory_space<hbm>>) dst(%arg13 : memref<128x64xf32, #tpu.memory_space<vmem>>)
      tpu.yield
    }) : () -> ()
    %add3A = arith.constant 0 : i32
    %add3A_5 = arith.addi %mul3A_4, %add3A : i32
    "tpu.region"() ({
      %run_scoped3A = tpu.sem_alloc : memref<!tpu.dma_semaphore, #tpu.memory_space<semaphore_mem>>
      %dma_start3A_63 = arith.constant 0 : i32
      %dma_start3A_64 = arith.constant 0 : i32
      %dma_start3A_65 = tpu.memref_slice %arg13[%dma_start3A_63, %dma_start3A_64] : memref<128x64xf32, #tpu.memory_space<vmem>> -> memref<128x64xf32, #tpu.memory_space<vmem>>
      %dma_start3A_66 = arith.constant 0 : i32
      %dma_start3A_67 = tpu.memref_slice %arg8[%add3A_5, %dma_start3A_66] : memref<10112x64xf32, #tpu.memory_space<vmem_shared>> -> memref<128x64xf32, #tpu.memory_space<vmem_shared>>
      %dma_start3A_68 = arith.constant 0 : i32
      %dma_start3A_69 = tpu.memref_slice %arg8[%add3A_5, %dma_start3A_68] : memref<10112x64xf32, #tpu.memory_space<vmem_shared>> -> memref<128x64xf32, #tpu.memory_space<vmem_shared>>
      %dma_start3A_70 = arith.constant 0 : i32
      %dma_start3A_71 = arith.constant 0 : i32
      %dma_start3A_72 = tpu.memref_slice %arg13[%dma_start3A_70, %dma_start3A_71] : memref<128x64xf32, #tpu.memory_space<vmem>> -> memref<128x64xf32, #tpu.memory_space<vmem>>
      tpu.enqueue_dma source(%dma_start3A_72 : memref<128x64xf32, #tpu.memory_space<vmem>>) target(%dma_start3A_69 : memref<128x64xf32, #tpu.memory_space<vmem_shared>>) target_semaphore(%run_scoped3A : memref<!tpu.dma_semaphore, #tpu.memory_space<semaphore_mem>>)
      %dma_wait3A = arith.constant 0 : i32
      %dma_wait3A_73 = arith.constant 0 : i32
      %dma_wait3A_74 = tpu.memref_slice %arg13[%dma_wait3A, %dma_wait3A_73] : memref<128x64xf32, #tpu.memory_space<vmem>> -> memref<128x64xf32, #tpu.memory_space<vmem>>
      %dma_wait3A_75 = arith.constant 0 : i32
      %dma_wait3A_76 = tpu.memref_slice %arg8[%add3A_5, %dma_wait3A_75] : memref<10112x64xf32, #tpu.memory_space<vmem_shared>> -> memref<128x64xf32, #tpu.memory_space<vmem_shared>>
      %dma_wait3A_77 = arith.constant 0 : i32
      %dma_wait3A_78 = tpu.memref_slice %arg8[%add3A_5, %dma_wait3A_77] : memref<10112x64xf32, #tpu.memory_space<vmem_shared>> -> memref<128x64xf32, #tpu.memory_space<vmem_shared>>
      %dma_wait3A_79 = arith.constant 0 : i32
      %dma_wait3A_80 = arith.constant 0 : i32
      %dma_wait3A_81 = tpu.memref_slice %arg13[%dma_wait3A_79, %dma_wait3A_80] : memref<128x64xf32, #tpu.memory_space<vmem>> -> memref<128x64xf32, #tpu.memory_space<vmem>>
      tpu.wait_dma2 semaphore(%run_scoped3A : memref<!tpu.dma_semaphore, #tpu.memory_space<semaphore_mem>>) src(%dma_wait3A_81 : memref<128x64xf32, #tpu.memory_space<vmem>>) dst(%dma_wait3A_78 : memref<128x64xf32, #tpu.memory_space<vmem_shared>>)
      tpu.yield
    }) : () -> ()
    %add3A_6 = arith.constant 128 : i32
    %add3A_7 = arith.addi %mul3A_4, %add3A_6 : i32
    "tpu.region"() ({
      %run_scoped3A = tpu.sem_alloc : memref<!tpu.dma_semaphore, #tpu.memory_space<semaphore_mem>>
      %dma_start3A_63 = arith.constant 0 : i32
      %dma_start3A_64 = arith.constant 0 : i32
      %dma_start3A_65 = tpu.memref_slice %arg13[%dma_start3A_63, %dma_start3A_64] : memref<128x64xf32, #tpu.memory_space<vmem>> -> memref<128x64xf32, #tpu.memory_space<vmem>>
      %dma_start3A_66 = arith.constant 0 : i32
      %dma_start3A_67 = tpu.memref_slice %arg8[%add3A_7, %dma_start3A_66] : memref<10112x64xf32, #tpu.memory_space<vmem_shared>> -> memref<128x64xf32, #tpu.memory_space<vmem_shared>>
      %dma_start3A_68 = arith.constant 0 : i32
      %dma_start3A_69 = tpu.memref_slice %arg8[%add3A_7, %dma_start3A_68] : memref<10112x64xf32, #tpu.memory_space<vmem_shared>> -> memref<128x64xf32, #tpu.memory_space<vmem_shared>>
      %dma_start3A_70 = arith.constant 0 : i32
      %dma_start3A_71 = arith.constant 0 : i32
      %dma_start3A_72 = tpu.memref_slice %arg13[%dma_start3A_70, %dma_start3A_71] : memref<128x64xf32, #tpu.memory_space<vmem>> -> memref<128x64xf32, #tpu.memory_space<vmem>>
      tpu.enqueue_dma source(%dma_start3A_72 : memref<128x64xf32, #tpu.memory_space<vmem>>) target(%dma_start3A_69 : memref<128x64xf32, #tpu.memory_space<vmem_shared>>) target_semaphore(%run_scoped3A : memref<!tpu.dma_semaphore, #tpu.memory_space<semaphore_mem>>)
      %dma_wait3A = arith.constant 0 : i32
      %dma_wait3A_73 = arith.constant 0 : i32
      %dma_wait3A_74 = tpu.memref_slice %arg13[%dma_wait3A, %dma_wait3A_73] : memref<128x64xf32, #tpu.memory_space<vmem>> -> memref<128x64xf32, #tpu.memory_space<vmem>>
      %dma_wait3A_75 = arith.constant 0 : i32
      %dma_wait3A_76 = tpu.memref_slice %arg8[%add3A_7, %dma_wait3A_75] : memref<10112x64xf32, #tpu.memory_space<vmem_shared>> -> memref<128x64xf32, #tpu.memory_space<vmem_shared>>
      %dma_wait3A_77 = arith.constant 0 : i32
      %dma_wait3A_78 = tpu.memref_slice %arg8[%add3A_7, %dma_wait3A_77] : memref<10112x64xf32, #tpu.memory_space<vmem_shared>> -> memref<128x64xf32, #tpu.memory_space<vmem_shared>>
      %dma_wait3A_79 = arith.constant 0 : i32
      %dma_wait3A_80 = arith.constant 0 : i32
      %dma_wait3A_81 = tpu.memref_slice %arg13[%dma_wait3A_79, %dma_wait3A_80] : memref<128x64xf32, #tpu.memory_space<vmem>> -> memref<128x64xf32, #tpu.memory_space<vmem>>
      tpu.wait_dma2 semaphore(%run_scoped3A : memref<!tpu.dma_semaphore, #tpu.memory_space<semaphore_mem>>) src(%dma_wait3A_81 : memref<128x64xf32, #tpu.memory_space<vmem>>) dst(%dma_wait3A_78 : memref<128x64xf32, #tpu.memory_space<vmem_shared>>)
      tpu.yield
    }) : () -> ()
    %add3A_8 = arith.constant 256 : i32
    %add3A_9 = arith.addi %mul3A_4, %add3A_8 : i32
    "tpu.region"() ({
      %run_scoped3A = tpu.sem_alloc : memref<!tpu.dma_semaphore, #tpu.memory_space<semaphore_mem>>
      %dma_start3A_63 = arith.constant 0 : i32
      %dma_start3A_64 = arith.constant 0 : i32
      %dma_start3A_65 = tpu.memref_slice %arg13[%dma_start3A_63, %dma_start3A_64] : memref<128x64xf32, #tpu.memory_space<vmem>> -> memref<128x64xf32, #tpu.memory_space<vmem>>
      %dma_start3A_66 = arith.constant 0 : i32
      %dma_start3A_67 = tpu.memref_slice %arg8[%add3A_9, %dma_start3A_66] : memref<10112x64xf32, #tpu.memory_space<vmem_shared>> -> memref<128x64xf32, #tpu.memory_space<vmem_shared>>
      %dma_start3A_68 = arith.constant 0 : i32
      %dma_start3A_69 = tpu.memref_slice %arg8[%add3A_9, %dma_start3A_68] : memref<10112x64xf32, #tpu.memory_space<vmem_shared>> -> memref<128x64xf32, #tpu.memory_space<vmem_shared>>
      %dma_start3A_70 = arith.constant 0 : i32
      %dma_start3A_71 = arith.constant 0 : i32
      %dma_start3A_72 = tpu.memref_slice %arg13[%dma_start3A_70, %dma_start3A_71] : memref<128x64xf32, #tpu.memory_space<vmem>> -> memref<128x64xf32, #tpu.memory_space<vmem>>
      tpu.enqueue_dma source(%dma_start3A_72 : memref<128x64xf32, #tpu.memory_space<vmem>>) target(%dma_start3A_69 : memref<128x64xf32, #tpu.memory_space<vmem_shared>>) target_semaphore(%run_scoped3A : memref<!tpu.dma_semaphore, #tpu.memory_space<semaphore_mem>>)
      %dma_wait3A = arith.constant 0 : i32
      %dma_wait3A_73 = arith.constant 0 : i32
      %dma_wait3A_74 = tpu.memref_slice %arg13[%dma_wait3A, %dma_wait3A_73] : memref<128x64xf32, #tpu.memory_space<vmem>> -> memref<128x64xf32, #tpu.memory_space<vmem>>
      %dma_wait3A_75 = arith.constant 0 : i32
      %dma_wait3A_76 = tpu.memref_slice %arg8[%add3A_9, %dma_wait3A_75] : memref<10112x64xf32, #tpu.memory_space<vmem_shared>> -> memref<128x64xf32, #tpu.memory_space<vmem_shared>>
      %dma_wait3A_77 = arith.constant 0 : i32
      %dma_wait3A_78 = tpu.memref_slice %arg8[%add3A_9, %dma_wait3A_77] : memref<10112x64xf32, #tpu.memory_space<vmem_shared>> -> memref<128x64xf32, #tpu.memory_space<vmem_shared>>
      %dma_wait3A_79 = arith.constant 0 : i32
      %dma_wait3A_80 = arith.constant 0 : i32
      %dma_wait3A_81 = tpu.memref_slice %arg13[%dma_wait3A_79, %dma_wait3A_80] : memref<128x64xf32, #tpu.memory_space<vmem>> -> memref<128x64xf32, #tpu.memory_space<vmem>>
      tpu.wait_dma2 semaphore(%run_scoped3A : memref<!tpu.dma_semaphore, #tpu.memory_space<semaphore_mem>>) src(%dma_wait3A_81 : memref<128x64xf32, #tpu.memory_space<vmem>>) dst(%dma_wait3A_78 : memref<128x64xf32, #tpu.memory_space<vmem_shared>>)
      tpu.yield
    }) : () -> ()
    %add3A_10 = arith.constant 384 : i32
    %add3A_11 = arith.addi %mul3A_4, %add3A_10 : i32
    "tpu.region"() ({
      %run_scoped3A = tpu.sem_alloc : memref<!tpu.dma_semaphore, #tpu.memory_space<semaphore_mem>>
      %dma_start3A_63 = arith.constant 0 : i32
      %dma_start3A_64 = arith.constant 0 : i32
      %dma_start3A_65 = tpu.memref_slice %arg13[%dma_start3A_63, %dma_start3A_64] : memref<128x64xf32, #tpu.memory_space<vmem>> -> memref<128x64xf32, #tpu.memory_space<vmem>>
      %dma_start3A_66 = arith.constant 0 : i32
      %dma_start3A_67 = tpu.memref_slice %arg8[%add3A_11, %dma_start3A_66] : memref<10112x64xf32, #tpu.memory_space<vmem_shared>> -> memref<128x64xf32, #tpu.memory_space<vmem_shared>>
      %dma_start3A_68 = arith.constant 0 : i32
      %dma_start3A_69 = tpu.memref_slice %arg8[%add3A_11, %dma_start3A_68] : memref<10112x64xf32, #tpu.memory_space<vmem_shared>> -> memref<128x64xf32, #tpu.memory_space<vmem_shared>>
      %dma_start3A_70 = arith.constant 0 : i32
      %dma_start3A_71 = arith.constant 0 : i32
      %dma_start3A_72 = tpu.memref_slice %arg13[%dma_start3A_70, %dma_start3A_71] : memref<128x64xf32, #tpu.memory_space<vmem>> -> memref<128x64xf32, #tpu.memory_space<vmem>>
      tpu.enqueue_dma source(%dma_start3A_72 : memref<128x64xf32, #tpu.memory_space<vmem>>) target(%dma_start3A_69 : memref<128x64xf32, #tpu.memory_space<vmem_shared>>) target_semaphore(%run_scoped3A : memref<!tpu.dma_semaphore, #tpu.memory_space<semaphore_mem>>)
      %dma_wait3A = arith.constant 0 : i32
      %dma_wait3A_73 = arith.constant 0 : i32
      %dma_wait3A_74 = tpu.memref_slice %arg13[%dma_wait3A, %dma_wait3A_73] : memref<128x64xf32, #tpu.memory_space<vmem>> -> memref<128x64xf32, #tpu.memory_space<vmem>>
      %dma_wait3A_75 = arith.constant 0 : i32
      %dma_wait3A_76 = tpu.memref_slice %arg8[%add3A_11, %dma_wait3A_75] : memref<10112x64xf32, #tpu.memory_space<vmem_shared>> -> memref<128x64xf32, #tpu.memory_space<vmem_shared>>
      %dma_wait3A_77 = arith.constant 0 : i32
      %dma_wait3A_78 = tpu.memref_slice %arg8[%add3A_11, %dma_wait3A_77] : memref<10112x64xf32, #tpu.memory_space<vmem_shared>> -> memref<128x64xf32, #tpu.memory_space<vmem_shared>>
      %dma_wait3A_79 = arith.constant 0 : i32
      %dma_wait3A_80 = arith.constant 0 : i32
      %dma_wait3A_81 = tpu.memref_slice %arg13[%dma_wait3A_79, %dma_wait3A_80] : memref<128x64xf32, #tpu.memory_space<vmem>> -> memref<128x64xf32, #tpu.memory_space<vmem>>
      tpu.wait_dma2 semaphore(%run_scoped3A : memref<!tpu.dma_semaphore, #tpu.memory_space<semaphore_mem>>) src(%dma_wait3A_81 : memref<128x64xf32, #tpu.memory_space<vmem>>) dst(%dma_wait3A_78 : memref<128x64xf32, #tpu.memory_space<vmem_shared>>)
      tpu.yield
    }) : () -> ()
    %add3A_12 = arith.constant 512 : i32
    %add3A_13 = arith.addi %mul3A_4, %add3A_12 : i32
    "tpu.region"() ({
      %run_scoped3A = tpu.sem_alloc : memref<!tpu.dma_semaphore, #tpu.memory_space<semaphore_mem>>
      %dma_start3A_63 = arith.constant 0 : i32
      %dma_start3A_64 = arith.constant 0 : i32
      %dma_start3A_65 = tpu.memref_slice %arg13[%dma_start3A_63, %dma_start3A_64] : memref<128x64xf32, #tpu.memory_space<vmem>> -> memref<120x64xf32, #tpu.memory_space<vmem>>
      %dma_start3A_66 = arith.constant 0 : i32
      %dma_start3A_67 = tpu.memref_slice %arg8[%add3A_13, %dma_start3A_66] : memref<10112x64xf32, #tpu.memory_space<vmem_shared>> -> memref<120x64xf32, #tpu.memory_space<vmem_shared>>
      %dma_start3A_68 = arith.constant 0 : i32
      %dma_start3A_69 = tpu.memref_slice %arg8[%add3A_13, %dma_start3A_68] : memref<10112x64xf32, #tpu.memory_space<vmem_shared>> -> memref<120x64xf32, #tpu.memory_space<vmem_shared>>
      %dma_start3A_70 = arith.constant 0 : i32
      %dma_start3A_71 = arith.constant 0 : i32
      %dma_start3A_72 = tpu.memref_slice %arg13[%dma_start3A_70, %dma_start3A_71] : memref<128x64xf32, #tpu.memory_space<vmem>> -> memref<120x64xf32, #tpu.memory_space<vmem>>
      tpu.enqueue_dma source(%dma_start3A_72 : memref<120x64xf32, #tpu.memory_space<vmem>>) target(%dma_start3A_69 : memref<120x64xf32, #tpu.memory_space<vmem_shared>>) target_semaphore(%run_scoped3A : memref<!tpu.dma_semaphore, #tpu.memory_space<semaphore_mem>>)
      %dma_wait3A = arith.constant 0 : i32
      %dma_wait3A_73 = arith.constant 0 : i32
      %dma_wait3A_74 = tpu.memref_slice %arg13[%dma_wait3A, %dma_wait3A_73] : memref<128x64xf32, #tpu.memory_space<vmem>> -> memref<120x64xf32, #tpu.memory_space<vmem>>
      %dma_wait3A_75 = arith.constant 0 : i32
      %dma_wait3A_76 = tpu.memref_slice %arg8[%add3A_13, %dma_wait3A_75] : memref<10112x64xf32, #tpu.memory_space<vmem_shared>> -> memref<120x64xf32, #tpu.memory_space<vmem_shared>>
      %dma_wait3A_77 = arith.constant 0 : i32
      %dma_wait3A_78 = tpu.memref_slice %arg8[%add3A_13, %dma_wait3A_77] : memref<10112x64xf32, #tpu.memory_space<vmem_shared>> -> memref<120x64xf32, #tpu.memory_space<vmem_shared>>
      %dma_wait3A_79 = arith.constant 0 : i32
      %dma_wait3A_80 = arith.constant 0 : i32
      %dma_wait3A_81 = tpu.memref_slice %arg13[%dma_wait3A_79, %dma_wait3A_80] : memref<128x64xf32, #tpu.memory_space<vmem>> -> memref<120x64xf32, #tpu.memory_space<vmem>>
      tpu.wait_dma2 semaphore(%run_scoped3A : memref<!tpu.dma_semaphore, #tpu.memory_space<semaphore_mem>>) src(%dma_wait3A_81 : memref<120x64xf32, #tpu.memory_space<vmem>>) dst(%dma_wait3A_78 : memref<120x64xf32, #tpu.memory_space<vmem_shared>>)
      tpu.yield
    }) : () -> ()
    %barrier3A = arith.constant 0 : index
    tpu.barrier barrier_id(%barrier3A)
    %mul3A_14 = arith.constant 20480 : i32
    %mul3A_15 = arith.muli %arg1, %mul3A_14 : i32
    %add3A_16 = arith.constant 0 : i32
    %add3A_17 = arith.addi %mul3A_15, %add3A_16 : i32
    "tpu.region"() ({
      %run_scoped3A = tpu.sem_alloc : memref<!tpu.dma_semaphore, #tpu.memory_space<semaphore_mem>>
      %dma_start3A_63 = tpu.memref_slice %arg3[%add3A_17] : memref<327680xi32, #tpu.memory_space<hbm>> -> memref<10240xi32, #tpu.memory_space<hbm>>
      %dma_start3A_64 = tpu.memref_slice %arg3[%add3A_17] : memref<327680xi32, #tpu.memory_space<hbm>> -> memref<10240xi32, #tpu.memory_space<hbm>>
      tpu.enqueue_dma source(%dma_start3A_64 : memref<10240xi32, #tpu.memory_space<hbm>>) target(%arg9 : memref<10240xi32, #tpu.memory_space<vmem>>) target_semaphore(%run_scoped3A : memref<!tpu.dma_semaphore, #tpu.memory_space<semaphore_mem>>)
      %dma_wait3A = tpu.memref_slice %arg3[%add3A_17] : memref<327680xi32, #tpu.memory_space<hbm>> -> memref<10240xi32, #tpu.memory_space<hbm>>
      %dma_wait3A_65 = tpu.memref_slice %arg3[%add3A_17] : memref<327680xi32, #tpu.memory_space<hbm>> -> memref<10240xi32, #tpu.memory_space<hbm>>
      tpu.wait_dma2 semaphore(%run_scoped3A : memref<!tpu.dma_semaphore, #tpu.memory_space<semaphore_mem>>) src(%dma_wait3A_65 : memref<10240xi32, #tpu.memory_space<hbm>>) dst(%arg9 : memref<10240xi32, #tpu.memory_space<vmem>>)
      tpu.yield
    }) : () -> ()
    %dma_start3A = arith.constant 0 : i32
    %dma_start3A_18 = tpu.memref_slice %arg9[%dma_start3A] : memref<10240xi32, #tpu.memory_space<vmem>> -> memref<128xi32, #tpu.memory_space<vmem>>
    %dma_start3A_19 = arith.constant 0 : i32
    %dma_start3A_20 = arith.constant 0 : i32
    %dma_start3A_21 = tpu.memref_slice %arg7[%dma_start3A_19, %dma_start3A_20] : memref<10000x64xf32, #tpu.memory_space<vmem_shared>> -> memref<10000x64xf32, #tpu.memory_space<vmem_shared>>
    tpu.enqueue_indirect_dma source(%dma_start3A_21 : memref<10000x64xf32, #tpu.memory_space<vmem_shared>>) target(%arg12 : memref<128x64xf32, #tpu.memory_space<vmem>>) offsets(%dma_start3A_18 : memref<128xi32, #tpu.memory_space<vmem>>) semaphore(%arg14 : memref<!tpu.dma_semaphore, #tpu.memory_space<semaphore_mem>>)
    %mul3A_22 = arith.constant 160 : i32
    %mul3A_23 = arith.muli %arg1, %mul3A_22 : i32
    %add3A_24 = arith.constant 0 : i32
    %add3A_25 = arith.addi %mul3A_23, %add3A_24 : i32
    %add3A_26 = arith.constant 0 : i32
    %add3A_27 = arith.addi %add3A_25, %add3A_26 : i32
    %dma_start3A_28 = arith.constant 0 : i32
    %dma_start3A_29 = tpu.memref_slice %arg4[%add3A_27, %dma_start3A_28] : memref<2560x128xi32, #tpu.memory_space<hbm>> -> memref<1x128xi32, #tpu.memory_space<hbm>>
    %dma_start3A_30 = arith.constant 0 : i32
    %dma_start3A_31 = tpu.memref_slice %arg4[%add3A_27, %dma_start3A_30] : memref<2560x128xi32, #tpu.memory_space<hbm>> -> memref<1x128xi32, #tpu.memory_space<hbm>>
    tpu.enqueue_dma source(%dma_start3A_31 : memref<1x128xi32, #tpu.memory_space<hbm>>) target(%arg10 : memref<1x128xi32, #tpu.memory_space<vmem>>) target_semaphore(%arg16 : memref<!tpu.dma_semaphore, #tpu.memory_space<semaphore_mem>>)
    %scan3A = arith.constant 0 : i32
    %scan3A_32 = arith.constant 0 : i32
    %scan3A_33 = arith.constant 40 : i32
    %scan3A_34 = arith.addi %scan3A_32, %scan3A_33 : i32
    %scan3A_35 = arith.constant 1 : i32
    scf.for %scan3A_63 = %scan3A_32 to %scan3A_34 step %scan3A_35  : i32 {
      %mul3A_64 = arith.constant 2 : i32
      %mul3A_65 = arith.muli %mul3A_64, %scan3A_63 : i32
      %add3A_66 = arith.constant 1 : i32
      %add3A_67 = arith.addi %mul3A_65, %add3A_66 : i32
      %mul3A_68 = arith.constant 128 : i32
      %mul3A_69 = arith.muli %add3A_67, %mul3A_68 : i32
      %dma_start3A_70 = tpu.memref_slice %arg9[%mul3A_69] : memref<10240xi32, #tpu.memory_space<vmem>> -> memref<128xi32, #tpu.memory_space<vmem>>
      %dma_start3A_71 = arith.constant 0 : i32
      %dma_start3A_72 = arith.constant 0 : i32
      %dma_start3A_73 = tpu.memref_slice %arg7[%dma_start3A_71, %dma_start3A_72] : memref<10000x64xf32, #tpu.memory_space<vmem_shared>> -> memref<10000x64xf32, #tpu.memory_space<vmem_shared>>
      tpu.enqueue_indirect_dma source(%dma_start3A_73 : memref<10000x64xf32, #tpu.memory_space<vmem_shared>>) target(%arg13 : memref<128x64xf32, #tpu.memory_space<vmem>>) offsets(%dma_start3A_70 : memref<128xi32, #tpu.memory_space<vmem>>) semaphore(%arg15 : memref<!tpu.dma_semaphore, #tpu.memory_space<semaphore_mem>>)
      %mul3A_74 = arith.constant 160 : i32
      %mul3A_75 = arith.muli %arg1, %mul3A_74 : i32
      %add3A_76 = arith.constant 0 : i32
      %add3A_77 = arith.addi %mul3A_75, %add3A_76 : i32
      %add3A_78 = arith.addi %add3A_77, %add3A_67 : i32
      %dma_start3A_79 = arith.constant 0 : i32
      %dma_start3A_80 = tpu.memref_slice %arg4[%add3A_78, %dma_start3A_79] : memref<2560x128xi32, #tpu.memory_space<hbm>> -> memref<1x128xi32, #tpu.memory_space<hbm>>
      %dma_start3A_81 = arith.constant 0 : i32
      %dma_start3A_82 = tpu.memref_slice %arg4[%add3A_78, %dma_start3A_81] : memref<2560x128xi32, #tpu.memory_space<hbm>> -> memref<1x128xi32, #tpu.memory_space<hbm>>
      tpu.enqueue_dma source(%dma_start3A_82 : memref<1x128xi32, #tpu.memory_space<hbm>>) target(%arg11 : memref<1x128xi32, #tpu.memory_space<vmem>>) target_semaphore(%arg17 : memref<!tpu.dma_semaphore, #tpu.memory_space<semaphore_mem>>)
      %dma_wait3A = arith.constant 0 : i32
      %dma_wait3A_83 = tpu.memref_slice %arg9[%dma_wait3A] : memref<10240xi32, #tpu.memory_space<vmem>> -> memref<128xi32, #tpu.memory_space<vmem>>
      %dma_wait3A_84 = arith.constant 0 : i32
      %dma_wait3A_85 = arith.constant 0 : i32
      %dma_wait3A_86 = tpu.memref_slice %arg7[%dma_wait3A_84, %dma_wait3A_85] : memref<10000x64xf32, #tpu.memory_space<vmem_shared>> -> memref<10000x64xf32, #tpu.memory_space<vmem_shared>>
      tpu.wait_indirect_dma semaphore(%arg14 : memref<!tpu.dma_semaphore, #tpu.memory_space<semaphore_mem>>) src(%dma_wait3A_86 : memref<10000x64xf32, #tpu.memory_space<vmem_shared>>) dst(%arg12 : memref<128x64xf32, #tpu.memory_space<vmem>>)
      %dma_wait3A_87 = arith.constant 0 : i32
      %dma_wait3A_88 = arith.constant 0 : i32
      %dma_wait3A_89 = tpu.memref_slice %arg4[%dma_wait3A_87, %dma_wait3A_88] : memref<2560x128xi32, #tpu.memory_space<hbm>> -> memref<1x128xi32, #tpu.memory_space<hbm>>
      %dma_wait3A_90 = arith.constant 0 : i32
      %dma_wait3A_91 = arith.constant 0 : i32
      %dma_wait3A_92 = tpu.memref_slice %arg4[%dma_wait3A_90, %dma_wait3A_91] : memref<2560x128xi32, #tpu.memory_space<hbm>> -> memref<1x128xi32, #tpu.memory_space<hbm>>
      tpu.wait_dma2 semaphore(%arg16 : memref<!tpu.dma_semaphore, #tpu.memory_space<semaphore_mem>>) src(%dma_wait3A_92 : memref<1x128xi32, #tpu.memory_space<hbm>>) dst(%arg10 : memref<1x128xi32, #tpu.memory_space<vmem>>)
      %run_scoped3A = arith.constant 0 : i32
      "tpu.region"() ({
        %run_scoped3A_111 = tpu.sem_alloc : memref<!tpu.dma_semaphore, #tpu.memory_space<semaphore_mem>>
        %dma_start3A_112 = arith.constant 0 : i32
        %dma_start3A_113 = tpu.memref_slice %arg10[%run_scoped3A, %dma_start3A_112] : memref<1x128xi32, #tpu.memory_space<vmem>> -> memref<1x128xi32, #tpu.memory_space<vmem>>
        %dma_start3A_114 = tpu.memref_squeeze %dma_start3A_113 : memref<1x128xi32, #tpu.memory_space<vmem>> -> memref<128xi32, #tpu.memory_space<vmem>>
        %dma_start3A_115 = arith.constant 0 : i32
        %dma_start3A_116 = arith.constant 0 : i32
        %dma_start3A_117 = tpu.memref_slice %arg8[%dma_start3A_115, %dma_start3A_116] : memref<10112x64xf32, #tpu.memory_space<vmem_shared>> -> memref<10112x64xf32, #tpu.memory_space<vmem_shared>>
        tpu.enqueue_indirect_dma source(%arg12 : memref<128x64xf32, #tpu.memory_space<vmem>>) target(%dma_start3A_117 : memref<10112x64xf32, #tpu.memory_space<vmem_shared>>) offsets(%dma_start3A_114 : memref<128xi32, #tpu.memory_space<vmem>>) semaphore(%run_scoped3A_111 : memref<!tpu.dma_semaphore, #tpu.memory_space<semaphore_mem>>) {add = true}
        %dma_wait3A_118 = arith.constant 0 : i32
        %dma_wait3A_119 = tpu.memref_slice %arg10[%run_scoped3A, %dma_wait3A_118] : memref<1x128xi32, #tpu.memory_space<vmem>> -> memref<1x128xi32, #tpu.memory_space<vmem>>
        %dma_wait3A_120 = tpu.memref_squeeze %dma_wait3A_119 : memref<1x128xi32, #tpu.memory_space<vmem>> -> memref<128xi32, #tpu.memory_space<vmem>>
        %dma_wait3A_121 = arith.constant 0 : i32
        %dma_wait3A_122 = arith.constant 0 : i32
        %dma_wait3A_123 = tpu.memref_slice %arg8[%dma_wait3A_121, %dma_wait3A_122] : memref<10112x64xf32, #tpu.memory_space<vmem_shared>> -> memref<10112x64xf32, #tpu.memory_space<vmem_shared>>
        tpu.wait_indirect_dma semaphore(%run_scoped3A_111 : memref<!tpu.dma_semaphore, #tpu.memory_space<semaphore_mem>>) src(%arg12 : memref<128x64xf32, #tpu.memory_space<vmem>>) dst(%dma_wait3A_123 : memref<10112x64xf32, #tpu.memory_space<vmem_shared>>)
        tpu.yield
      }) : () -> ()
      %add3A_93 = arith.constant 1 : i32
      %add3A_94 = arith.addi %add3A_67, %add3A_93 : i32
      %lt3A = arith.constant 80 : i32
      %lt3A_95 = arith.cmpi slt, %add3A_94, %lt3A : i32
      %convert_element_type3A_96 = arith.extui %lt3A_95 : i1 to i32
      %cond3A_97 = arith.constant 0 : i32
      %cond3A_98 = arith.cmpi ne, %convert_element_type3A_96, %cond3A_97 : i32
      scf.if %cond3A_98 {
        %add3A_111 = arith.constant 1 : i32
        %add3A_112 = arith.addi %add3A_67, %add3A_111 : i32
        %mul3A_113 = arith.constant 128 : i32
        %mul3A_114 = arith.muli %add3A_112, %mul3A_113 : i32
        %dma_start3A_115 = tpu.memref_slice %arg9[%mul3A_114] : memref<10240xi32, #tpu.memory_space<vmem>> -> memref<128xi32, #tpu.memory_space<vmem>>
        %dma_start3A_116 = arith.constant 0 : i32
        %dma_start3A_117 = arith.constant 0 : i32
        %dma_start3A_118 = tpu.memref_slice %arg7[%dma_start3A_116, %dma_start3A_117] : memref<10000x64xf32, #tpu.memory_space<vmem_shared>> -> memref<10000x64xf32, #tpu.memory_space<vmem_shared>>
        tpu.enqueue_indirect_dma source(%dma_start3A_118 : memref<10000x64xf32, #tpu.memory_space<vmem_shared>>) target(%arg12 : memref<128x64xf32, #tpu.memory_space<vmem>>) offsets(%dma_start3A_115 : memref<128xi32, #tpu.memory_space<vmem>>) semaphore(%arg14 : memref<!tpu.dma_semaphore, #tpu.memory_space<semaphore_mem>>)
        %mul3A_119 = arith.constant 160 : i32
        %mul3A_120 = arith.muli %arg1, %mul3A_119 : i32
        %add3A_121 = arith.constant 0 : i32
        %add3A_122 = arith.addi %mul3A_120, %add3A_121 : i32
        %add3A_123 = arith.addi %add3A_122, %add3A_112 : i32
        %dma_start3A_124 = arith.constant 0 : i32
        %dma_start3A_125 = tpu.memref_slice %arg4[%add3A_123, %dma_start3A_124] : memref<2560x128xi32, #tpu.memory_space<hbm>> -> memref<1x128xi32, #tpu.memory_space<hbm>>
        %dma_start3A_126 = arith.constant 0 : i32
        %dma_start3A_127 = tpu.memref_slice %arg4[%add3A_123, %dma_start3A_126] : memref<2560x128xi32, #tpu.memory_space<hbm>> -> memref<1x128xi32, #tpu.memory_space<hbm>>
        tpu.enqueue_dma source(%dma_start3A_127 : memref<1x128xi32, #tpu.memory_space<hbm>>) target(%arg10 : memref<1x128xi32, #tpu.memory_space<vmem>>) target_semaphore(%arg16 : memref<!tpu.dma_semaphore, #tpu.memory_space<semaphore_mem>>)
      } else {
      }
      %dma_wait3A_99 = arith.constant 0 : i32
      %dma_wait3A_100 = tpu.memref_slice %arg9[%dma_wait3A_99] : memref<10240xi32, #tpu.memory_space<vmem>> -> memref<128xi32, #tpu.memory_space<vmem>>
      %dma_wait3A_101 = arith.constant 0 : i32
      %dma_wait3A_102 = arith.constant 0 : i32
      %dma_wait3A_103 = tpu.memref_slice %arg7[%dma_wait3A_101, %dma_wait3A_102] : memref<10000x64xf32, #tpu.memory_space<vmem_shared>> -> memref<10000x64xf32, #tpu.memory_space<vmem_shared>>
      tpu.wait_indirect_dma semaphore(%arg15 : memref<!tpu.dma_semaphore, #tpu.memory_space<semaphore_mem>>) src(%dma_wait3A_103 : memref<10000x64xf32, #tpu.memory_space<vmem_shared>>) dst(%arg13 : memref<128x64xf32, #tpu.memory_space<vmem>>)
      %dma_wait3A_104 = arith.constant 0 : i32
      %dma_wait3A_105 = arith.constant 0 : i32
      %dma_wait3A_106 = tpu.memref_slice %arg4[%dma_wait3A_104, %dma_wait3A_105] : memref<2560x128xi32, #tpu.memory_space<hbm>> -> memref<1x128xi32, #tpu.memory_space<hbm>>
      %dma_wait3A_107 = arith.constant 0 : i32
      %dma_wait3A_108 = arith.constant 0 : i32
      %dma_wait3A_109 = tpu.memref_slice %arg4[%dma_wait3A_107, %dma_wait3A_108] : memref<2560x128xi32, #tpu.memory_space<hbm>> -> memref<1x128xi32, #tpu.memory_space<hbm>>
      tpu.wait_dma2 semaphore(%arg17 : memref<!tpu.dma_semaphore, #tpu.memory_space<semaphore_mem>>) src(%dma_wait3A_109 : memref<1x128xi32, #tpu.memory_space<hbm>>) dst(%arg11 : memref<1x128xi32, #tpu.memory_space<vmem>>)
      %run_scoped3A_110 = arith.constant 0 : i32
      "tpu.region"() ({
        %run_scoped3A_111 = tpu.sem_alloc : memref<!tpu.dma_semaphore, #tpu.memory_space<semaphore_mem>>
        %dma_start3A_112 = arith.constant 0 : i32
        %dma_start3A_113 = tpu.memref_slice %arg11[%run_scoped3A_110, %dma_start3A_112] : memref<1x128xi32, #tpu.memory_space<vmem>> -> memref<1x128xi32, #tpu.memory_space<vmem>>
        %dma_start3A_114 = tpu.memref_squeeze %dma_start3A_113 : memref<1x128xi32, #tpu.memory_space<vmem>> -> memref<128xi32, #tpu.memory_space<vmem>>
        %dma_start3A_115 = arith.constant 0 : i32
        %dma_start3A_116 = arith.constant 0 : i32
        %dma_start3A_117 = tpu.memref_slice %arg8[%dma_start3A_115, %dma_start3A_116] : memref<10112x64xf32, #tpu.memory_space<vmem_shared>> -> memref<10112x64xf32, #tpu.memory_space<vmem_shared>>
        tpu.enqueue_indirect_dma source(%arg13 : memref<128x64xf32, #tpu.memory_space<vmem>>) target(%dma_start3A_117 : memref<10112x64xf32, #tpu.memory_space<vmem_shared>>) offsets(%dma_start3A_114 : memref<128xi32, #tpu.memory_space<vmem>>) semaphore(%run_scoped3A_111 : memref<!tpu.dma_semaphore, #tpu.memory_space<semaphore_mem>>) {add = true}
        %dma_wait3A_118 = arith.constant 0 : i32
        %dma_wait3A_119 = tpu.memref_slice %arg11[%run_scoped3A_110, %dma_wait3A_118] : memref<1x128xi32, #tpu.memory_space<vmem>> -> memref<1x128xi32, #tpu.memory_space<vmem>>
        %dma_wait3A_120 = tpu.memref_squeeze %dma_wait3A_119 : memref<1x128xi32, #tpu.memory_space<vmem>> -> memref<128xi32, #tpu.memory_space<vmem>>
        %dma_wait3A_121 = arith.constant 0 : i32
        %dma_wait3A_122 = arith.constant 0 : i32
        %dma_wait3A_123 = tpu.memref_slice %arg8[%dma_wait3A_121, %dma_wait3A_122] : memref<10112x64xf32, #tpu.memory_space<vmem_shared>> -> memref<10112x64xf32, #tpu.memory_space<vmem_shared>>
        tpu.wait_indirect_dma semaphore(%run_scoped3A_111 : memref<!tpu.dma_semaphore, #tpu.memory_space<semaphore_mem>>) src(%arg13 : memref<128x64xf32, #tpu.memory_space<vmem>>) dst(%dma_wait3A_123 : memref<10112x64xf32, #tpu.memory_space<vmem_shared>>)
        tpu.yield
      }) : () -> ()
    }
    %scan3A_36 = arith.constant 40 : i32
    %mul3A_37 = arith.constant 20480 : i32
    %mul3A_38 = arith.muli %arg1, %mul3A_37 : i32
    %add3A_39 = arith.constant 10240 : i32
    %add3A_40 = arith.addi %mul3A_38, %add3A_39 : i32
    "tpu.region"() ({
      %run_scoped3A = tpu.sem_alloc : memref<!tpu.dma_semaphore, #tpu.memory_space<semaphore_mem>>
      %dma_start3A_63 = tpu.memref_slice %arg3[%add3A_40] : memref<327680xi32, #tpu.memory_space<hbm>> -> memref<10240xi32, #tpu.memory_space<hbm>>
      %dma_start3A_64 = tpu.memref_slice %arg3[%add3A_40] : memref<327680xi32, #tpu.memory_space<hbm>> -> memref<10240xi32, #tpu.memory_space<hbm>>
      tpu.enqueue_dma source(%dma_start3A_64 : memref<10240xi32, #tpu.memory_space<hbm>>) target(%arg9 : memref<10240xi32, #tpu.memory_space<vmem>>) target_semaphore(%run_scoped3A : memref<!tpu.dma_semaphore, #tpu.memory_space<semaphore_mem>>)
      %dma_wait3A = tpu.memref_slice %arg3[%add3A_40] : memref<327680xi32, #tpu.memory_space<hbm>> -> memref<10240xi32, #tpu.memory_space<hbm>>
      %dma_wait3A_65 = tpu.memref_slice %arg3[%add3A_40] : memref<327680xi32, #tpu.memory_space<hbm>> -> memref<10240xi32, #tpu.memory_space<hbm>>
      tpu.wait_dma2 semaphore(%run_scoped3A : memref<!tpu.dma_semaphore, #tpu.memory_space<semaphore_mem>>) src(%dma_wait3A_65 : memref<10240xi32, #tpu.memory_space<hbm>>) dst(%arg9 : memref<10240xi32, #tpu.memory_space<vmem>>)
      tpu.yield
    }) : () -> ()
    %dma_start3A_41 = arith.constant 0 : i32
    %dma_start3A_42 = tpu.memref_slice %arg9[%dma_start3A_41] : memref<10240xi32, #tpu.memory_space<vmem>> -> memref<128xi32, #tpu.memory_space<vmem>>
    %dma_start3A_43 = arith.constant 0 : i32
    %dma_start3A_44 = arith.constant 0 : i32
    %dma_start3A_45 = tpu.memref_slice %arg7[%dma_start3A_43, %dma_start3A_44] : memref<10000x64xf32, #tpu.memory_space<vmem_shared>> -> memref<10000x64xf32, #tpu.memory_space<vmem_shared>>
    tpu.enqueue_indirect_dma source(%dma_start3A_45 : memref<10000x64xf32, #tpu.memory_space<vmem_shared>>) target(%arg12 : memref<128x64xf32, #tpu.memory_space<vmem>>) offsets(%dma_start3A_42 : memref<128xi32, #tpu.memory_space<vmem>>) semaphore(%arg14 : memref<!tpu.dma_semaphore, #tpu.memory_space<semaphore_mem>>)
    %mul3A_46 = arith.constant 160 : i32
    %mul3A_47 = arith.muli %arg1, %mul3A_46 : i32
    %add3A_48 = arith.constant 80 : i32
    %add3A_49 = arith.addi %mul3A_47, %add3A_48 : i32
    %add3A_50 = arith.constant 0 : i32
    %add3A_51 = arith.addi %add3A_49, %add3A_50 : i32
    %dma_start3A_52 = arith.constant 0 : i32
    %dma_start3A_53 = tpu.memref_slice %arg4[%add3A_51, %dma_start3A_52] : memref<2560x128xi32, #tpu.memory_space<hbm>> -> memref<1x128xi32, #tpu.memory_space<hbm>>
    %dma_start3A_54 = arith.constant 0 : i32
    %dma_start3A_55 = tpu.memref_slice %arg4[%add3A_51, %dma_start3A_54] : memref<2560x128xi32, #tpu.memory_space<hbm>> -> memref<1x128xi32, #tpu.memory_space<hbm>>
    tpu.enqueue_dma source(%dma_start3A_55 : memref<1x128xi32, #tpu.memory_space<hbm>>) target(%arg10 : memref<1x128xi32, #tpu.memory_space<vmem>>) target_semaphore(%arg16 : memref<!tpu.dma_semaphore, #tpu.memory_space<semaphore_mem>>)
    %scan3A_56 = arith.constant 0 : i32
    %scan3A_57 = arith.constant 0 : i32
    %scan3A_58 = arith.constant 40 : i32
    %scan3A_59 = arith.addi %scan3A_57, %scan3A_58 : i32
    %scan3A_60 = arith.constant 1 : i32
    scf.for %scan3A_63 = %scan3A_57 to %scan3A_59 step %scan3A_60  : i32 {
      %mul3A_64 = arith.constant 2 : i32
      %mul3A_65 = arith.muli %mul3A_64, %scan3A_63 : i32
      %add3A_66 = arith.constant 1 : i32
      %add3A_67 = arith.addi %mul3A_65, %add3A_66 : i32
      %mul3A_68 = arith.constant 128 : i32
      %mul3A_69 = arith.muli %add3A_67, %mul3A_68 : i32
      %dma_start3A_70 = tpu.memref_slice %arg9[%mul3A_69] : memref<10240xi32, #tpu.memory_space<vmem>> -> memref<128xi32, #tpu.memory_space<vmem>>
      %dma_start3A_71 = arith.constant 0 : i32
      %dma_start3A_72 = arith.constant 0 : i32
      %dma_start3A_73 = tpu.memref_slice %arg7[%dma_start3A_71, %dma_start3A_72] : memref<10000x64xf32, #tpu.memory_space<vmem_shared>> -> memref<10000x64xf32, #tpu.memory_space<vmem_shared>>
      tpu.enqueue_indirect_dma source(%dma_start3A_73 : memref<10000x64xf32, #tpu.memory_space<vmem_shared>>) target(%arg13 : memref<128x64xf32, #tpu.memory_space<vmem>>) offsets(%dma_start3A_70 : memref<128xi32, #tpu.memory_space<vmem>>) semaphore(%arg15 : memref<!tpu.dma_semaphore, #tpu.memory_space<semaphore_mem>>)
      %mul3A_74 = arith.constant 160 : i32
      %mul3A_75 = arith.muli %arg1, %mul3A_74 : i32
      %add3A_76 = arith.constant 80 : i32
      %add3A_77 = arith.addi %mul3A_75, %add3A_76 : i32
      %add3A_78 = arith.addi %add3A_77, %add3A_67 : i32
      %dma_start3A_79 = arith.constant 0 : i32
      %dma_start3A_80 = tpu.memref_slice %arg4[%add3A_78, %dma_start3A_79] : memref<2560x128xi32, #tpu.memory_space<hbm>> -> memref<1x128xi32, #tpu.memory_space<hbm>>
      %dma_start3A_81 = arith.constant 0 : i32
      %dma_start3A_82 = tpu.memref_slice %arg4[%add3A_78, %dma_start3A_81] : memref<2560x128xi32, #tpu.memory_space<hbm>> -> memref<1x128xi32, #tpu.memory_space<hbm>>
      tpu.enqueue_dma source(%dma_start3A_82 : memref<1x128xi32, #tpu.memory_space<hbm>>) target(%arg11 : memref<1x128xi32, #tpu.memory_space<vmem>>) target_semaphore(%arg17 : memref<!tpu.dma_semaphore, #tpu.memory_space<semaphore_mem>>)
      %dma_wait3A = arith.constant 0 : i32
      %dma_wait3A_83 = tpu.memref_slice %arg9[%dma_wait3A] : memref<10240xi32, #tpu.memory_space<vmem>> -> memref<128xi32, #tpu.memory_space<vmem>>
      %dma_wait3A_84 = arith.constant 0 : i32
      %dma_wait3A_85 = arith.constant 0 : i32
      %dma_wait3A_86 = tpu.memref_slice %arg7[%dma_wait3A_84, %dma_wait3A_85] : memref<10000x64xf32, #tpu.memory_space<vmem_shared>> -> memref<10000x64xf32, #tpu.memory_space<vmem_shared>>
      tpu.wait_indirect_dma semaphore(%arg14 : memref<!tpu.dma_semaphore, #tpu.memory_space<semaphore_mem>>) src(%dma_wait3A_86 : memref<10000x64xf32, #tpu.memory_space<vmem_shared>>) dst(%arg12 : memref<128x64xf32, #tpu.memory_space<vmem>>)
      %dma_wait3A_87 = arith.constant 0 : i32
      %dma_wait3A_88 = arith.constant 0 : i32
      %dma_wait3A_89 = tpu.memref_slice %arg4[%dma_wait3A_87, %dma_wait3A_88] : memref<2560x128xi32, #tpu.memory_space<hbm>> -> memref<1x128xi32, #tpu.memory_space<hbm>>
      %dma_wait3A_90 = arith.constant 0 : i32
      %dma_wait3A_91 = arith.constant 0 : i32
      %dma_wait3A_92 = tpu.memref_slice %arg4[%dma_wait3A_90, %dma_wait3A_91] : memref<2560x128xi32, #tpu.memory_space<hbm>> -> memref<1x128xi32, #tpu.memory_space<hbm>>
      tpu.wait_dma2 semaphore(%arg16 : memref<!tpu.dma_semaphore, #tpu.memory_space<semaphore_mem>>) src(%dma_wait3A_92 : memref<1x128xi32, #tpu.memory_space<hbm>>) dst(%arg10 : memref<1x128xi32, #tpu.memory_space<vmem>>)
      %run_scoped3A = arith.constant 0 : i32
      "tpu.region"() ({
        %run_scoped3A_111 = tpu.sem_alloc : memref<!tpu.dma_semaphore, #tpu.memory_space<semaphore_mem>>
        %dma_start3A_112 = arith.constant 0 : i32
        %dma_start3A_113 = tpu.memref_slice %arg10[%run_scoped3A, %dma_start3A_112] : memref<1x128xi32, #tpu.memory_space<vmem>> -> memref<1x128xi32, #tpu.memory_space<vmem>>
        %dma_start3A_114 = tpu.memref_squeeze %dma_start3A_113 : memref<1x128xi32, #tpu.memory_space<vmem>> -> memref<128xi32, #tpu.memory_space<vmem>>
        %dma_start3A_115 = arith.constant 0 : i32
        %dma_start3A_116 = arith.constant 0 : i32
        %dma_start3A_117 = tpu.memref_slice %arg8[%dma_start3A_115, %dma_start3A_116] : memref<10112x64xf32, #tpu.memory_space<vmem_shared>> -> memref<10112x64xf32, #tpu.memory_space<vmem_shared>>
        tpu.enqueue_indirect_dma source(%arg12 : memref<128x64xf32, #tpu.memory_space<vmem>>) target(%dma_start3A_117 : memref<10112x64xf32, #tpu.memory_space<vmem_shared>>) offsets(%dma_start3A_114 : memref<128xi32, #tpu.memory_space<vmem>>) semaphore(%run_scoped3A_111 : memref<!tpu.dma_semaphore, #tpu.memory_space<semaphore_mem>>) {add = true}
        %dma_wait3A_118 = arith.constant 0 : i32
        %dma_wait3A_119 = tpu.memref_slice %arg10[%run_scoped3A, %dma_wait3A_118] : memref<1x128xi32, #tpu.memory_space<vmem>> -> memref<1x128xi32, #tpu.memory_space<vmem>>
        %dma_wait3A_120 = tpu.memref_squeeze %dma_wait3A_119 : memref<1x128xi32, #tpu.memory_space<vmem>> -> memref<128xi32, #tpu.memory_space<vmem>>
        %dma_wait3A_121 = arith.constant 0 : i32
        %dma_wait3A_122 = arith.constant 0 : i32
        %dma_wait3A_123 = tpu.memref_slice %arg8[%dma_wait3A_121, %dma_wait3A_122] : memref<10112x64xf32, #tpu.memory_space<vmem_shared>> -> memref<10112x64xf32, #tpu.memory_space<vmem_shared>>
        tpu.wait_indirect_dma semaphore(%run_scoped3A_111 : memref<!tpu.dma_semaphore, #tpu.memory_space<semaphore_mem>>) src(%arg12 : memref<128x64xf32, #tpu.memory_space<vmem>>) dst(%dma_wait3A_123 : memref<10112x64xf32, #tpu.memory_space<vmem_shared>>)
        tpu.yield
      }) : () -> ()
      %add3A_93 = arith.constant 1 : i32
      %add3A_94 = arith.addi %add3A_67, %add3A_93 : i32
      %lt3A = arith.constant 80 : i32
      %lt3A_95 = arith.cmpi slt, %add3A_94, %lt3A : i32
      %convert_element_type3A_96 = arith.extui %lt3A_95 : i1 to i32
      %cond3A_97 = arith.constant 0 : i32
      %cond3A_98 = arith.cmpi ne, %convert_element_type3A_96, %cond3A_97 : i32
      scf.if %cond3A_98 {
        %add3A_111 = arith.constant 1 : i32
        %add3A_112 = arith.addi %add3A_67, %add3A_111 : i32
        %mul3A_113 = arith.constant 128 : i32
        %mul3A_114 = arith.muli %add3A_112, %mul3A_113 : i32
        %dma_start3A_115 = tpu.memref_slice %arg9[%mul3A_114] : memref<10240xi32, #tpu.memory_space<vmem>> -> memref<128xi32, #tpu.memory_space<vmem>>
        %dma_start3A_116 = arith.constant 0 : i32
        %dma_start3A_117 = arith.constant 0 : i32
        %dma_start3A_118 = tpu.memref_slice %arg7[%dma_start3A_116, %dma_start3A_117] : memref<10000x64xf32, #tpu.memory_space<vmem_shared>> -> memref<10000x64xf32, #tpu.memory_space<vmem_shared>>
        tpu.enqueue_indirect_dma source(%dma_start3A_118 : memref<10000x64xf32, #tpu.memory_space<vmem_shared>>) target(%arg12 : memref<128x64xf32, #tpu.memory_space<vmem>>) offsets(%dma_start3A_115 : memref<128xi32, #tpu.memory_space<vmem>>) semaphore(%arg14 : memref<!tpu.dma_semaphore, #tpu.memory_space<semaphore_mem>>)
        %mul3A_119 = arith.constant 160 : i32
        %mul3A_120 = arith.muli %arg1, %mul3A_119 : i32
        %add3A_121 = arith.constant 80 : i32
        %add3A_122 = arith.addi %mul3A_120, %add3A_121 : i32
        %add3A_123 = arith.addi %add3A_122, %add3A_112 : i32
        %dma_start3A_124 = arith.constant 0 : i32
        %dma_start3A_125 = tpu.memref_slice %arg4[%add3A_123, %dma_start3A_124] : memref<2560x128xi32, #tpu.memory_space<hbm>> -> memref<1x128xi32, #tpu.memory_space<hbm>>
        %dma_start3A_126 = arith.constant 0 : i32
        %dma_start3A_127 = tpu.memref_slice %arg4[%add3A_123, %dma_start3A_126] : memref<2560x128xi32, #tpu.memory_space<hbm>> -> memref<1x128xi32, #tpu.memory_space<hbm>>
        tpu.enqueue_dma source(%dma_start3A_127 : memref<1x128xi32, #tpu.memory_space<hbm>>) target(%arg10 : memref<1x128xi32, #tpu.memory_space<vmem>>) target_semaphore(%arg16 : memref<!tpu.dma_semaphore, #tpu.memory_space<semaphore_mem>>)
      } else {
      }
      %dma_wait3A_99 = arith.constant 0 : i32
      %dma_wait3A_100 = tpu.memref_slice %arg9[%dma_wait3A_99] : memref<10240xi32, #tpu.memory_space<vmem>> -> memref<128xi32, #tpu.memory_space<vmem>>
      %dma_wait3A_101 = arith.constant 0 : i32
      %dma_wait3A_102 = arith.constant 0 : i32
      %dma_wait3A_103 = tpu.memref_slice %arg7[%dma_wait3A_101, %dma_wait3A_102] : memref<10000x64xf32, #tpu.memory_space<vmem_shared>> -> memref<10000x64xf32, #tpu.memory_space<vmem_shared>>
      tpu.wait_indirect_dma semaphore(%arg15 : memref<!tpu.dma_semaphore, #tpu.memory_space<semaphore_mem>>) src(%dma_wait3A_103 : memref<10000x64xf32, #tpu.memory_space<vmem_shared>>) dst(%arg13 : memref<128x64xf32, #tpu.memory_space<vmem>>)
      %dma_wait3A_104 = arith.constant 0 : i32
      %dma_wait3A_105 = arith.constant 0 : i32
      %dma_wait3A_106 = tpu.memref_slice %arg4[%dma_wait3A_104, %dma_wait3A_105] : memref<2560x128xi32, #tpu.memory_space<hbm>> -> memref<1x128xi32, #tpu.memory_space<hbm>>
      %dma_wait3A_107 = arith.constant 0 : i32
      %dma_wait3A_108 = arith.constant 0 : i32
      %dma_wait3A_109 = tpu.memref_slice %arg4[%dma_wait3A_107, %dma_wait3A_108] : memref<2560x128xi32, #tpu.memory_space<hbm>> -> memref<1x128xi32, #tpu.memory_space<hbm>>
      tpu.wait_dma2 semaphore(%arg17 : memref<!tpu.dma_semaphore, #tpu.memory_space<semaphore_mem>>) src(%dma_wait3A_109 : memref<1x128xi32, #tpu.memory_space<hbm>>) dst(%arg11 : memref<1x128xi32, #tpu.memory_space<vmem>>)
      %run_scoped3A_110 = arith.constant 0 : i32
      "tpu.region"() ({
        %run_scoped3A_111 = tpu.sem_alloc : memref<!tpu.dma_semaphore, #tpu.memory_space<semaphore_mem>>
        %dma_start3A_112 = arith.constant 0 : i32
        %dma_start3A_113 = tpu.memref_slice %arg11[%run_scoped3A_110, %dma_start3A_112] : memref<1x128xi32, #tpu.memory_space<vmem>> -> memref<1x128xi32, #tpu.memory_space<vmem>>
        %dma_start3A_114 = tpu.memref_squeeze %dma_start3A_113 : memref<1x128xi32, #tpu.memory_space<vmem>> -> memref<128xi32, #tpu.memory_space<vmem>>
        %dma_start3A_115 = arith.constant 0 : i32
        %dma_start3A_116 = arith.constant 0 : i32
        %dma_start3A_117 = tpu.memref_slice %arg8[%dma_start3A_115, %dma_start3A_116] : memref<10112x64xf32, #tpu.memory_space<vmem_shared>> -> memref<10112x64xf32, #tpu.memory_space<vmem_shared>>
        tpu.enqueue_indirect_dma source(%arg13 : memref<128x64xf32, #tpu.memory_space<vmem>>) target(%dma_start3A_117 : memref<10112x64xf32, #tpu.memory_space<vmem_shared>>) offsets(%dma_start3A_114 : memref<128xi32, #tpu.memory_space<vmem>>) semaphore(%run_scoped3A_111 : memref<!tpu.dma_semaphore, #tpu.memory_space<semaphore_mem>>) {add = true}
        %dma_wait3A_118 = arith.constant 0 : i32
        %dma_wait3A_119 = tpu.memref_slice %arg11[%run_scoped3A_110, %dma_wait3A_118] : memref<1x128xi32, #tpu.memory_space<vmem>> -> memref<1x128xi32, #tpu.memory_space<vmem>>
        %dma_wait3A_120 = tpu.memref_squeeze %dma_wait3A_119 : memref<1x128xi32, #tpu.memory_space<vmem>> -> memref<128xi32, #tpu.memory_space<vmem>>
        %dma_wait3A_121 = arith.constant 0 : i32
        %dma_wait3A_122 = arith.constant 0 : i32
        %dma_wait3A_123 = tpu.memref_slice %arg8[%dma_wait3A_121, %dma_wait3A_122] : memref<10112x64xf32, #tpu.memory_space<vmem_shared>> -> memref<10112x64xf32, #tpu.memory_space<vmem_shared>>
        tpu.wait_indirect_dma semaphore(%run_scoped3A_111 : memref<!tpu.dma_semaphore, #tpu.memory_space<semaphore_mem>>) src(%arg13 : memref<128x64xf32, #tpu.memory_space<vmem>>) dst(%dma_wait3A_123 : memref<10112x64xf32, #tpu.memory_space<vmem_shared>>)
        tpu.yield
      }) : () -> ()
    }
    %scan3A_61 = arith.constant 40 : i32
    %barrier3A_62 = arith.constant 0 : index
    tpu.barrier barrier_id(%barrier3A_62)
    "tpu.region"() ({
      %run_scoped3A = tpu.sem_alloc : memref<!tpu.dma_semaphore, #tpu.memory_space<semaphore_mem>>
      %dma_start3A_63 = arith.constant 0 : i32
      %dma_start3A_64 = arith.constant 0 : i32
      %dma_start3A_65 = tpu.memref_slice %arg6[%arg0, %arg1, %dma_start3A_63, %dma_start3A_64] : memref<2x16x632x64xf32, #tpu.memory_space<hbm>> -> memref<1x1x632x64xf32, #tpu.memory_space<hbm>>
      %dma_start3A_66 = tpu.memref_squeeze %dma_start3A_65 : memref<1x1x632x64xf32, #tpu.memory_space<hbm>> -> memref<632x64xf32, #tpu.memory_space<hbm>>
      %dma_start3A_67 = arith.constant 0 : i32
      %dma_start3A_68 = tpu.memref_slice %arg8[%mul3A_4, %dma_start3A_67] : memref<10112x64xf32, #tpu.memory_space<vmem_shared>> -> memref<632x64xf32, #tpu.memory_space<vmem_shared>>
      tpu.enqueue_dma source(%dma_start3A_68 : memref<632x64xf32, #tpu.memory_space<vmem_shared>>) target(%dma_start3A_66 : memref<632x64xf32, #tpu.memory_space<hbm>>) target_semaphore(%run_scoped3A : memref<!tpu.dma_semaphore, #tpu.memory_space<semaphore_mem>>)
      %dma_wait3A = arith.constant 0 : i32
      %dma_wait3A_69 = arith.constant 0 : i32
      %dma_wait3A_70 = tpu.memref_slice %arg6[%arg0, %arg1, %dma_wait3A, %dma_wait3A_69] : memref<2x16x632x64xf32, #tpu.memory_space<hbm>> -> memref<1x1x632x64xf32, #tpu.memory_space<hbm>>
      %dma_wait3A_71 = tpu.memref_squeeze %dma_wait3A_70 : memref<1x1x632x64xf32, #tpu.memory_space<hbm>> -> memref<632x64xf32, #tpu.memory_space<hbm>>
      %dma_wait3A_72 = arith.constant 0 : i32
      %dma_wait3A_73 = tpu.memref_slice %arg8[%mul3A_4, %dma_wait3A_72] : memref<10112x64xf32, #tpu.memory_space<vmem_shared>> -> memref<632x64xf32, #tpu.memory_space<vmem_shared>>
      tpu.wait_dma2 semaphore(%run_scoped3A : memref<!tpu.dma_semaphore, #tpu.memory_space<semaphore_mem>>) src(%dma_wait3A_73 : memref<632x64xf32, #tpu.memory_space<vmem_shared>>) dst(%dma_wait3A_71 : memref<632x64xf32, #tpu.memory_space<hbm>>)
      tpu.yield
    }) : () -> ()
    return
  }
}

#map = affine_map<(d0, d1) -> (0, 0, 0)>
#map1 = affine_map<(d0, d1) -> (0)>
#map2 = affine_map<(d0, d1) -> (0, 0)>
#map3 = affine_map<(d0, d1) -> (0, 0, 0, 0)>
module attributes {stable_mosaic.version = 14 : i64} {
  func.func @_segment_sum_sc(%arg0: i32, %arg1: i32, %arg2: memref<2x10000x64xf32, #tpu.memory_space<hbm>>, %arg3: memref<327680xi32, #tpu.memory_space<hbm>>, %arg4: memref<2560x128xi32, #tpu.memory_space<hbm>>, %arg5: memref<128x64xf32, #tpu.memory_space<hbm>>, %arg6: memref<2x16x632x64xf32, #tpu.memory_space<hbm>>, %arg7: memref<10000x64xf32, #tpu.memory_space<vmem_shared>>, %arg8: memref<10112x64xf32, #tpu.memory_space<vmem_shared>>, %arg9: memref<10240xi32, #tpu.memory_space<vmem>>, %arg10: memref<1x128xi32, #tpu.memory_space<vmem>>, %arg11: memref<1x128xi32, #tpu.memory_space<vmem>>, %arg12: memref<128x64xf32, #tpu.memory_space<vmem>>, %arg13: memref<128x64xf32, #tpu.memory_space<vmem>>, %arg14: memref<!tpu.dma_semaphore, #tpu.memory_space<semaphore_mem>>, %arg15: memref<!tpu.dma_semaphore, #tpu.memory_space<semaphore_mem>>, %arg16: memref<!tpu.dma_semaphore, #tpu.memory_space<semaphore_mem>>, %arg17: memref<!tpu.dma_semaphore, #tpu.memory_space<semaphore_mem>>) attributes {dimension_semantics = [#tpu.dimension_semantics<core_parallel>, #tpu.dimension_semantics<subcore_parallel>], iteration_bounds = array<i64: 2, 16>, scalar_prefetch = 0 : i64, scratch_operands = 11 : i64, tpu.core_type = #tpu.core_type<sc_vector_subcore>, window_params = [{transform_indices = #map}, {transform_indices = #map1}, {transform_indices = #map2}, {transform_indices = #map2}, {transform_indices = #map3}]} {
    %mul3A = arith.constant 624 : i32
    %mul3A_0 = arith.muli %arg1, %mul3A : i32
    "tpu.region"() ({
      %run_scoped3A = tpu.sem_alloc : memref<!tpu.dma_semaphore, #tpu.memory_space<semaphore_mem>>
      %dma_start3A_63 = arith.constant 0 : i32
      %dma_start3A_64 = tpu.memref_slice %arg7[%mul3A_0, %dma_start3A_63] : memref<10000x64xf32, #tpu.memory_space<vmem_shared>> -> memref<624x64xf32, #tpu.memory_space<vmem_shared>>
      %dma_start3A_65 = arith.constant 0 : i32
      %dma_start3A_66 = tpu.memref_slice %arg2[%arg0, %mul3A_0, %dma_start3A_65] : memref<2x10000x64xf32, #tpu.memory_space<hbm>> -> memref<1x624x64xf32, #tpu.memory_space<hbm>>
      %dma_start3A_67 = tpu.memref_squeeze %dma_start3A_66 : memref<1x624x64xf32, #tpu.memory_space<hbm>> -> memref<624x64xf32, #tpu.memory_space<hbm>>
      tpu.enqueue_dma source(%dma_start3A_67 : memref<624x64xf32, #tpu.memory_space<hbm>>) target(%dma_start3A_64 : memref<624x64xf32, #tpu.memory_space<vmem_shared>>) target_semaphore(%run_scoped3A : memref<!tpu.dma_semaphore, #tpu.memory_space<semaphore_mem>>)
      %dma_wait3A = arith.constant 0 : i32
      %dma_wait3A_68 = tpu.memref_slice %arg7[%mul3A_0, %dma_wait3A] : memref<10000x64xf32, #tpu.memory_space<vmem_shared>> -> memref<624x64xf32, #tpu.memory_space<vmem_shared>>
      %dma_wait3A_69 = arith.constant 0 : i32
      %dma_wait3A_70 = tpu.memref_slice %arg2[%arg0, %mul3A_0, %dma_wait3A_69] : memref<2x10000x64xf32, #tpu.memory_space<hbm>> -> memref<1x624x64xf32, #tpu.memory_space<hbm>>
      %dma_wait3A_71 = tpu.memref_squeeze %dma_wait3A_70 : memref<1x624x64xf32, #tpu.memory_space<hbm>> -> memref<624x64xf32, #tpu.memory_space<hbm>>
      tpu.wait_dma2 semaphore(%run_scoped3A : memref<!tpu.dma_semaphore, #tpu.memory_space<semaphore_mem>>) src(%dma_wait3A_71 : memref<624x64xf32, #tpu.memory_space<hbm>>) dst(%dma_wait3A_68 : memref<624x64xf32, #tpu.memory_space<vmem_shared>>)
      tpu.yield
    }) : () -> ()
    %eq3A = arith.constant 0 : i32
    %eq3A_1 = arith.cmpi eq, %arg1, %eq3A : i32
    %convert_element_type3A = arith.extui %eq3A_1 : i1 to i32
    %cond3A = arith.constant 0 : i32
    %cond3A_2 = arith.cmpi ne, %convert_element_type3A, %cond3A : i32
    scf.if %cond3A_2 {
      "tpu.region"() ({
        %run_scoped3A = tpu.sem_alloc : memref<!tpu.dma_semaphore, #tpu.memory_space<semaphore_mem>>
        %dma_start3A_63 = arith.constant 9984 : i32
        %dma_start3A_64 = arith.constant 0 : i32
        %dma_start3A_65 = tpu.memref_slice %arg7[%dma_start3A_63, %dma_start3A_64] : memref<10000x64xf32, #tpu.memory_space<vmem_shared>> -> memref<16x64xf32, #tpu.memory_space<vmem_shared>>
        %dma_start3A_66 = arith.constant 9984 : i32
        %dma_start3A_67 = arith.constant 0 : i32
        %dma_start3A_68 = tpu.memref_slice %arg2[%arg0, %dma_start3A_66, %dma_start3A_67] : memref<2x10000x64xf32, #tpu.memory_space<hbm>> -> memref<1x16x64xf32, #tpu.memory_space<hbm>>
        %dma_start3A_69 = tpu.memref_squeeze %dma_start3A_68 : memref<1x16x64xf32, #tpu.memory_space<hbm>> -> memref<16x64xf32, #tpu.memory_space<hbm>>
        tpu.enqueue_dma source(%dma_start3A_69 : memref<16x64xf32, #tpu.memory_space<hbm>>) target(%dma_start3A_65 : memref<16x64xf32, #tpu.memory_space<vmem_shared>>) target_semaphore(%run_scoped3A : memref<!tpu.dma_semaphore, #tpu.memory_space<semaphore_mem>>)
        %dma_wait3A = arith.constant 9984 : i32
        %dma_wait3A_70 = arith.constant 0 : i32
        %dma_wait3A_71 = tpu.memref_slice %arg7[%dma_wait3A, %dma_wait3A_70] : memref<10000x64xf32, #tpu.memory_space<vmem_shared>> -> memref<16x64xf32, #tpu.memory_space<vmem_shared>>
        %dma_wait3A_72 = arith.constant 9984 : i32
        %dma_wait3A_73 = arith.constant 0 : i32
        %dma_wait3A_74 = tpu.memref_slice %arg2[%arg0, %dma_wait3A_72, %dma_wait3A_73] : memref<2x10000x64xf32, #tpu.memory_space<hbm>> -> memref<1x16x64xf32, #tpu.memory_space<hbm>>
        %dma_wait3A_75 = tpu.memref_squeeze %dma_wait3A_74 : memref<1x16x64xf32, #tpu.memory_space<hbm>> -> memref<16x64xf32, #tpu.memory_space<hbm>>
        tpu.wait_dma2 semaphore(%run_scoped3A : memref<!tpu.dma_semaphore, #tpu.memory_space<semaphore_mem>>) src(%dma_wait3A_75 : memref<16x64xf32, #tpu.memory_space<hbm>>) dst(%dma_wait3A_71 : memref<16x64xf32, #tpu.memory_space<vmem_shared>>)
        tpu.yield
      }) : () -> ()
    } else {
    }
    %mul3A_3 = arith.constant 632 : i32
    %mul3A_4 = arith.muli %arg1, %mul3A_3 : i32
    "tpu.region"() ({
      %run_scoped3A = tpu.sem_alloc : memref<!tpu.dma_semaphore, #tpu.memory_space<semaphore_mem>>
      tpu.enqueue_dma source(%arg5 : memref<128x64xf32, #tpu.memory_space<hbm>>) target(%arg13 : memref<128x64xf32, #tpu.memory_space<vmem>>) target_semaphore(%run_scoped3A : memref<!tpu.dma_semaphore, #tpu.memory_space<semaphore_mem>>)
      tpu.wait_dma2 semaphore(%run_scoped3A : memref<!tpu.dma_semaphore, #tpu.memory_space<semaphore_mem>>) src(%arg5 : memref<128x64xf32, #tpu.memory_space<hbm>>) dst(%arg13 : memref<128x64xf32, #tpu.memory_space<vmem>>)
      tpu.yield
    }) : () -> ()
    %add3A = arith.constant 0 : i32
    %add3A_5 = arith.addi %mul3A_4, %add3A : i32
    "tpu.region"() ({
      %run_scoped3A = tpu.sem_alloc : memref<!tpu.dma_semaphore, #tpu.memory_space<semaphore_mem>>
      %dma_start3A_63 = arith.constant 0 : i32
      %dma_start3A_64 = arith.constant 0 : i32
      %dma_start3A_65 = tpu.memref_slice %arg13[%dma_start3A_63, %dma_start3A_64] : memref<128x64xf32, #tpu.memory_space<vmem>> -> memref<128x64xf32, #tpu.memory_space<vmem>>
      %dma_start3A_66 = arith.constant 0 : i32
      %dma_start3A_67 = tpu.memref_slice %arg8[%add3A_5, %dma_start3A_66] : memref<10112x64xf32, #tpu.memory_space<vmem_shared>> -> memref<128x64xf32, #tpu.memory_space<vmem_shared>>
      %dma_start3A_68 = arith.constant 0 : i32
      %dma_start3A_69 = tpu.memref_slice %arg8[%add3A_5, %dma_start3A_68] : memref<10112x64xf32, #tpu.memory_space<vmem_shared>> -> memref<128x64xf32, #tpu.memory_space<vmem_shared>>
      %dma_start3A_70 = arith.constant 0 : i32
      %dma_start3A_71 = arith.constant 0 : i32
      %dma_start3A_72 = tpu.memref_slice %arg13[%dma_start3A_70, %dma_start3A_71] : memref<128x64xf32, #tpu.memory_space<vmem>> -> memref<128x64xf32, #tpu.memory_space<vmem>>
      tpu.enqueue_dma source(%dma_start3A_72 : memref<128x64xf32, #tpu.memory_space<vmem>>) target(%dma_start3A_69 : memref<128x64xf32, #tpu.memory_space<vmem_shared>>) target_semaphore(%run_scoped3A : memref<!tpu.dma_semaphore, #tpu.memory_space<semaphore_mem>>)
      %dma_wait3A = arith.constant 0 : i32
      %dma_wait3A_73 = arith.constant 0 : i32
      %dma_wait3A_74 = tpu.memref_slice %arg13[%dma_wait3A, %dma_wait3A_73] : memref<128x64xf32, #tpu.memory_space<vmem>> -> memref<128x64xf32, #tpu.memory_space<vmem>>
      %dma_wait3A_75 = arith.constant 0 : i32
      %dma_wait3A_76 = tpu.memref_slice %arg8[%add3A_5, %dma_wait3A_75] : memref<10112x64xf32, #tpu.memory_space<vmem_shared>> -> memref<128x64xf32, #tpu.memory_space<vmem_shared>>
      %dma_wait3A_77 = arith.constant 0 : i32
      %dma_wait3A_78 = tpu.memref_slice %arg8[%add3A_5, %dma_wait3A_77] : memref<10112x64xf32, #tpu.memory_space<vmem_shared>> -> memref<128x64xf32, #tpu.memory_space<vmem_shared>>
      %dma_wait3A_79 = arith.constant 0 : i32
      %dma_wait3A_80 = arith.constant 0 : i32
      %dma_wait3A_81 = tpu.memref_slice %arg13[%dma_wait3A_79, %dma_wait3A_80] : memref<128x64xf32, #tpu.memory_space<vmem>> -> memref<128x64xf32, #tpu.memory_space<vmem>>
      tpu.wait_dma2 semaphore(%run_scoped3A : memref<!tpu.dma_semaphore, #tpu.memory_space<semaphore_mem>>) src(%dma_wait3A_81 : memref<128x64xf32, #tpu.memory_space<vmem>>) dst(%dma_wait3A_78 : memref<128x64xf32, #tpu.memory_space<vmem_shared>>)
      tpu.yield
    }) : () -> ()
    %add3A_6 = arith.constant 128 : i32
    %add3A_7 = arith.addi %mul3A_4, %add3A_6 : i32
    "tpu.region"() ({
      %run_scoped3A = tpu.sem_alloc : memref<!tpu.dma_semaphore, #tpu.memory_space<semaphore_mem>>
      %dma_start3A_63 = arith.constant 0 : i32
      %dma_start3A_64 = arith.constant 0 : i32
      %dma_start3A_65 = tpu.memref_slice %arg13[%dma_start3A_63, %dma_start3A_64] : memref<128x64xf32, #tpu.memory_space<vmem>> -> memref<128x64xf32, #tpu.memory_space<vmem>>
      %dma_start3A_66 = arith.constant 0 : i32
      %dma_start3A_67 = tpu.memref_slice %arg8[%add3A_7, %dma_start3A_66] : memref<10112x64xf32, #tpu.memory_space<vmem_shared>> -> memref<128x64xf32, #tpu.memory_space<vmem_shared>>
      %dma_start3A_68 = arith.constant 0 : i32
      %dma_start3A_69 = tpu.memref_slice %arg8[%add3A_7, %dma_start3A_68] : memref<10112x64xf32, #tpu.memory_space<vmem_shared>> -> memref<128x64xf32, #tpu.memory_space<vmem_shared>>
      %dma_start3A_70 = arith.constant 0 : i32
      %dma_start3A_71 = arith.constant 0 : i32
      %dma_start3A_72 = tpu.memref_slice %arg13[%dma_start3A_70, %dma_start3A_71] : memref<128x64xf32, #tpu.memory_space<vmem>> -> memref<128x64xf32, #tpu.memory_space<vmem>>
      tpu.enqueue_dma source(%dma_start3A_72 : memref<128x64xf32, #tpu.memory_space<vmem>>) target(%dma_start3A_69 : memref<128x64xf32, #tpu.memory_space<vmem_shared>>) target_semaphore(%run_scoped3A : memref<!tpu.dma_semaphore, #tpu.memory_space<semaphore_mem>>)
      %dma_wait3A = arith.constant 0 : i32
      %dma_wait3A_73 = arith.constant 0 : i32
      %dma_wait3A_74 = tpu.memref_slice %arg13[%dma_wait3A, %dma_wait3A_73] : memref<128x64xf32, #tpu.memory_space<vmem>> -> memref<128x64xf32, #tpu.memory_space<vmem>>
      %dma_wait3A_75 = arith.constant 0 : i32
      %dma_wait3A_76 = tpu.memref_slice %arg8[%add3A_7, %dma_wait3A_75] : memref<10112x64xf32, #tpu.memory_space<vmem_shared>> -> memref<128x64xf32, #tpu.memory_space<vmem_shared>>
      %dma_wait3A_77 = arith.constant 0 : i32
      %dma_wait3A_78 = tpu.memref_slice %arg8[%add3A_7, %dma_wait3A_77] : memref<10112x64xf32, #tpu.memory_space<vmem_shared>> -> memref<128x64xf32, #tpu.memory_space<vmem_shared>>
      %dma_wait3A_79 = arith.constant 0 : i32
      %dma_wait3A_80 = arith.constant 0 : i32
      %dma_wait3A_81 = tpu.memref_slice %arg13[%dma_wait3A_79, %dma_wait3A_80] : memref<128x64xf32, #tpu.memory_space<vmem>> -> memref<128x64xf32, #tpu.memory_space<vmem>>
      tpu.wait_dma2 semaphore(%run_scoped3A : memref<!tpu.dma_semaphore, #tpu.memory_space<semaphore_mem>>) src(%dma_wait3A_81 : memref<128x64xf32, #tpu.memory_space<vmem>>) dst(%dma_wait3A_78 : memref<128x64xf32, #tpu.memory_space<vmem_shared>>)
      tpu.yield
    }) : () -> ()
    %add3A_8 = arith.constant 256 : i32
    %add3A_9 = arith.addi %mul3A_4, %add3A_8 : i32
    "tpu.region"() ({
      %run_scoped3A = tpu.sem_alloc : memref<!tpu.dma_semaphore, #tpu.memory_space<semaphore_mem>>
      %dma_start3A_63 = arith.constant 0 : i32
      %dma_start3A_64 = arith.constant 0 : i32
      %dma_start3A_65 = tpu.memref_slice %arg13[%dma_start3A_63, %dma_start3A_64] : memref<128x64xf32, #tpu.memory_space<vmem>> -> memref<128x64xf32, #tpu.memory_space<vmem>>
      %dma_start3A_66 = arith.constant 0 : i32
      %dma_start3A_67 = tpu.memref_slice %arg8[%add3A_9, %dma_start3A_66] : memref<10112x64xf32, #tpu.memory_space<vmem_shared>> -> memref<128x64xf32, #tpu.memory_space<vmem_shared>>
      %dma_start3A_68 = arith.constant 0 : i32
      %dma_start3A_69 = tpu.memref_slice %arg8[%add3A_9, %dma_start3A_68] : memref<10112x64xf32, #tpu.memory_space<vmem_shared>> -> memref<128x64xf32, #tpu.memory_space<vmem_shared>>
      %dma_start3A_70 = arith.constant 0 : i32
      %dma_start3A_71 = arith.constant 0 : i32
      %dma_start3A_72 = tpu.memref_slice %arg13[%dma_start3A_70, %dma_start3A_71] : memref<128x64xf32, #tpu.memory_space<vmem>> -> memref<128x64xf32, #tpu.memory_space<vmem>>
      tpu.enqueue_dma source(%dma_start3A_72 : memref<128x64xf32, #tpu.memory_space<vmem>>) target(%dma_start3A_69 : memref<128x64xf32, #tpu.memory_space<vmem_shared>>) target_semaphore(%run_scoped3A : memref<!tpu.dma_semaphore, #tpu.memory_space<semaphore_mem>>)
      %dma_wait3A = arith.constant 0 : i32
      %dma_wait3A_73 = arith.constant 0 : i32
      %dma_wait3A_74 = tpu.memref_slice %arg13[%dma_wait3A, %dma_wait3A_73] : memref<128x64xf32, #tpu.memory_space<vmem>> -> memref<128x64xf32, #tpu.memory_space<vmem>>
      %dma_wait3A_75 = arith.constant 0 : i32
      %dma_wait3A_76 = tpu.memref_slice %arg8[%add3A_9, %dma_wait3A_75] : memref<10112x64xf32, #tpu.memory_space<vmem_shared>> -> memref<128x64xf32, #tpu.memory_space<vmem_shared>>
      %dma_wait3A_77 = arith.constant 0 : i32
      %dma_wait3A_78 = tpu.memref_slice %arg8[%add3A_9, %dma_wait3A_77] : memref<10112x64xf32, #tpu.memory_space<vmem_shared>> -> memref<128x64xf32, #tpu.memory_space<vmem_shared>>
      %dma_wait3A_79 = arith.constant 0 : i32
      %dma_wait3A_80 = arith.constant 0 : i32
      %dma_wait3A_81 = tpu.memref_slice %arg13[%dma_wait3A_79, %dma_wait3A_80] : memref<128x64xf32, #tpu.memory_space<vmem>> -> memref<128x64xf32, #tpu.memory_space<vmem>>
      tpu.wait_dma2 semaphore(%run_scoped3A : memref<!tpu.dma_semaphore, #tpu.memory_space<semaphore_mem>>) src(%dma_wait3A_81 : memref<128x64xf32, #tpu.memory_space<vmem>>) dst(%dma_wait3A_78 : memref<128x64xf32, #tpu.memory_space<vmem_shared>>)
      tpu.yield
    }) : () -> ()
    %add3A_10 = arith.constant 384 : i32
    %add3A_11 = arith.addi %mul3A_4, %add3A_10 : i32
    "tpu.region"() ({
      %run_scoped3A = tpu.sem_alloc : memref<!tpu.dma_semaphore, #tpu.memory_space<semaphore_mem>>
      %dma_start3A_63 = arith.constant 0 : i32
      %dma_start3A_64 = arith.constant 0 : i32
      %dma_start3A_65 = tpu.memref_slice %arg13[%dma_start3A_63, %dma_start3A_64] : memref<128x64xf32, #tpu.memory_space<vmem>> -> memref<128x64xf32, #tpu.memory_space<vmem>>
      %dma_start3A_66 = arith.constant 0 : i32
      %dma_start3A_67 = tpu.memref_slice %arg8[%add3A_11, %dma_start3A_66] : memref<10112x64xf32, #tpu.memory_space<vmem_shared>> -> memref<128x64xf32, #tpu.memory_space<vmem_shared>>
      %dma_start3A_68 = arith.constant 0 : i32
      %dma_start3A_69 = tpu.memref_slice %arg8[%add3A_11, %dma_start3A_68] : memref<10112x64xf32, #tpu.memory_space<vmem_shared>> -> memref<128x64xf32, #tpu.memory_space<vmem_shared>>
      %dma_start3A_70 = arith.constant 0 : i32
      %dma_start3A_71 = arith.constant 0 : i32
      %dma_start3A_72 = tpu.memref_slice %arg13[%dma_start3A_70, %dma_start3A_71] : memref<128x64xf32, #tpu.memory_space<vmem>> -> memref<128x64xf32, #tpu.memory_space<vmem>>
      tpu.enqueue_dma source(%dma_start3A_72 : memref<128x64xf32, #tpu.memory_space<vmem>>) target(%dma_start3A_69 : memref<128x64xf32, #tpu.memory_space<vmem_shared>>) target_semaphore(%run_scoped3A : memref<!tpu.dma_semaphore, #tpu.memory_space<semaphore_mem>>)
      %dma_wait3A = arith.constant 0 : i32
      %dma_wait3A_73 = arith.constant 0 : i32
      %dma_wait3A_74 = tpu.memref_slice %arg13[%dma_wait3A, %dma_wait3A_73] : memref<128x64xf32, #tpu.memory_space<vmem>> -> memref<128x64xf32, #tpu.memory_space<vmem>>
      %dma_wait3A_75 = arith.constant 0 : i32
      %dma_wait3A_76 = tpu.memref_slice %arg8[%add3A_11, %dma_wait3A_75] : memref<10112x64xf32, #tpu.memory_space<vmem_shared>> -> memref<128x64xf32, #tpu.memory_space<vmem_shared>>
      %dma_wait3A_77 = arith.constant 0 : i32
      %dma_wait3A_78 = tpu.memref_slice %arg8[%add3A_11, %dma_wait3A_77] : memref<10112x64xf32, #tpu.memory_space<vmem_shared>> -> memref<128x64xf32, #tpu.memory_space<vmem_shared>>
      %dma_wait3A_79 = arith.constant 0 : i32
      %dma_wait3A_80 = arith.constant 0 : i32
      %dma_wait3A_81 = tpu.memref_slice %arg13[%dma_wait3A_79, %dma_wait3A_80] : memref<128x64xf32, #tpu.memory_space<vmem>> -> memref<128x64xf32, #tpu.memory_space<vmem>>
      tpu.wait_dma2 semaphore(%run_scoped3A : memref<!tpu.dma_semaphore, #tpu.memory_space<semaphore_mem>>) src(%dma_wait3A_81 : memref<128x64xf32, #tpu.memory_space<vmem>>) dst(%dma_wait3A_78 : memref<128x64xf32, #tpu.memory_space<vmem_shared>>)
      tpu.yield
    }) : () -> ()
    %add3A_12 = arith.constant 512 : i32
    %add3A_13 = arith.addi %mul3A_4, %add3A_12 : i32
    "tpu.region"() ({
      %run_scoped3A = tpu.sem_alloc : memref<!tpu.dma_semaphore, #tpu.memory_space<semaphore_mem>>
      %dma_start3A_63 = arith.constant 0 : i32
      %dma_start3A_64 = arith.constant 0 : i32
      %dma_start3A_65 = tpu.memref_slice %arg13[%dma_start3A_63, %dma_start3A_64] : memref<128x64xf32, #tpu.memory_space<vmem>> -> memref<120x64xf32, #tpu.memory_space<vmem>>
      %dma_start3A_66 = arith.constant 0 : i32
      %dma_start3A_67 = tpu.memref_slice %arg8[%add3A_13, %dma_start3A_66] : memref<10112x64xf32, #tpu.memory_space<vmem_shared>> -> memref<120x64xf32, #tpu.memory_space<vmem_shared>>
      %dma_start3A_68 = arith.constant 0 : i32
      %dma_start3A_69 = tpu.memref_slice %arg8[%add3A_13, %dma_start3A_68] : memref<10112x64xf32, #tpu.memory_space<vmem_shared>> -> memref<120x64xf32, #tpu.memory_space<vmem_shared>>
      %dma_start3A_70 = arith.constant 0 : i32
      %dma_start3A_71 = arith.constant 0 : i32
      %dma_start3A_72 = tpu.memref_slice %arg13[%dma_start3A_70, %dma_start3A_71] : memref<128x64xf32, #tpu.memory_space<vmem>> -> memref<120x64xf32, #tpu.memory_space<vmem>>
      tpu.enqueue_dma source(%dma_start3A_72 : memref<120x64xf32, #tpu.memory_space<vmem>>) target(%dma_start3A_69 : memref<120x64xf32, #tpu.memory_space<vmem_shared>>) target_semaphore(%run_scoped3A : memref<!tpu.dma_semaphore, #tpu.memory_space<semaphore_mem>>)
      %dma_wait3A = arith.constant 0 : i32
      %dma_wait3A_73 = arith.constant 0 : i32
      %dma_wait3A_74 = tpu.memref_slice %arg13[%dma_wait3A, %dma_wait3A_73] : memref<128x64xf32, #tpu.memory_space<vmem>> -> memref<120x64xf32, #tpu.memory_space<vmem>>
      %dma_wait3A_75 = arith.constant 0 : i32
      %dma_wait3A_76 = tpu.memref_slice %arg8[%add3A_13, %dma_wait3A_75] : memref<10112x64xf32, #tpu.memory_space<vmem_shared>> -> memref<120x64xf32, #tpu.memory_space<vmem_shared>>
      %dma_wait3A_77 = arith.constant 0 : i32
      %dma_wait3A_78 = tpu.memref_slice %arg8[%add3A_13, %dma_wait3A_77] : memref<10112x64xf32, #tpu.memory_space<vmem_shared>> -> memref<120x64xf32, #tpu.memory_space<vmem_shared>>
      %dma_wait3A_79 = arith.constant 0 : i32
      %dma_wait3A_80 = arith.constant 0 : i32
      %dma_wait3A_81 = tpu.memref_slice %arg13[%dma_wait3A_79, %dma_wait3A_80] : memref<128x64xf32, #tpu.memory_space<vmem>> -> memref<120x64xf32, #tpu.memory_space<vmem>>
      tpu.wait_dma2 semaphore(%run_scoped3A : memref<!tpu.dma_semaphore, #tpu.memory_space<semaphore_mem>>) src(%dma_wait3A_81 : memref<120x64xf32, #tpu.memory_space<vmem>>) dst(%dma_wait3A_78 : memref<120x64xf32, #tpu.memory_space<vmem_shared>>)
      tpu.yield
    }) : () -> ()
    %barrier3A = arith.constant 0 : index
    tpu.barrier barrier_id(%barrier3A)
    %mul3A_14 = arith.constant 20480 : i32
    %mul3A_15 = arith.muli %arg1, %mul3A_14 : i32
    %add3A_16 = arith.constant 0 : i32
    %add3A_17 = arith.addi %mul3A_15, %add3A_16 : i32
    "tpu.region"() ({
      %run_scoped3A = tpu.sem_alloc : memref<!tpu.dma_semaphore, #tpu.memory_space<semaphore_mem>>
      %dma_start3A_63 = tpu.memref_slice %arg3[%add3A_17] : memref<327680xi32, #tpu.memory_space<hbm>> -> memref<10240xi32, #tpu.memory_space<hbm>>
      %dma_start3A_64 = tpu.memref_slice %arg3[%add3A_17] : memref<327680xi32, #tpu.memory_space<hbm>> -> memref<10240xi32, #tpu.memory_space<hbm>>
      tpu.enqueue_dma source(%dma_start3A_64 : memref<10240xi32, #tpu.memory_space<hbm>>) target(%arg9 : memref<10240xi32, #tpu.memory_space<vmem>>) target_semaphore(%run_scoped3A : memref<!tpu.dma_semaphore, #tpu.memory_space<semaphore_mem>>)
      %dma_wait3A = tpu.memref_slice %arg3[%add3A_17] : memref<327680xi32, #tpu.memory_space<hbm>> -> memref<10240xi32, #tpu.memory_space<hbm>>
      %dma_wait3A_65 = tpu.memref_slice %arg3[%add3A_17] : memref<327680xi32, #tpu.memory_space<hbm>> -> memref<10240xi32, #tpu.memory_space<hbm>>
      tpu.wait_dma2 semaphore(%run_scoped3A : memref<!tpu.dma_semaphore, #tpu.memory_space<semaphore_mem>>) src(%dma_wait3A_65 : memref<10240xi32, #tpu.memory_space<hbm>>) dst(%arg9 : memref<10240xi32, #tpu.memory_space<vmem>>)
      tpu.yield
    }) : () -> ()
    %dma_start3A = arith.constant 0 : i32
    %dma_start3A_18 = tpu.memref_slice %arg9[%dma_start3A] : memref<10240xi32, #tpu.memory_space<vmem>> -> memref<128xi32, #tpu.memory_space<vmem>>
    %dma_start3A_19 = arith.constant 0 : i32
    %dma_start3A_20 = arith.constant 0 : i32
    %dma_start3A_21 = tpu.memref_slice %arg7[%dma_start3A_19, %dma_start3A_20] : memref<10000x64xf32, #tpu.memory_space<vmem_shared>> -> memref<10000x64xf32, #tpu.memory_space<vmem_shared>>
    tpu.enqueue_indirect_dma source(%dma_start3A_21 : memref<10000x64xf32, #tpu.memory_space<vmem_shared>>) target(%arg12 : memref<128x64xf32, #tpu.memory_space<vmem>>) offsets(%dma_start3A_18 : memref<128xi32, #tpu.memory_space<vmem>>) semaphore(%arg14 : memref<!tpu.dma_semaphore, #tpu.memory_space<semaphore_mem>>)
    %mul3A_22 = arith.constant 160 : i32
    %mul3A_23 = arith.muli %arg1, %mul3A_22 : i32
    %add3A_24 = arith.constant 0 : i32
    %add3A_25 = arith.addi %mul3A_23, %add3A_24 : i32
    %add3A_26 = arith.constant 0 : i32
    %add3A_27 = arith.addi %add3A_25, %add3A_26 : i32
    %dma_start3A_28 = arith.constant 0 : i32
    %dma_start3A_29 = tpu.memref_slice %arg4[%add3A_27, %dma_start3A_28] : memref<2560x128xi32, #tpu.memory_space<hbm>> -> memref<1x128xi32, #tpu.memory_space<hbm>>
    %dma_start3A_30 = arith.constant 0 : i32
    %dma_start3A_31 = tpu.memref_slice %arg4[%add3A_27, %dma_start3A_30] : memref<2560x128xi32, #tpu.memory_space<hbm>> -> memref<1x128xi32, #tpu.memory_space<hbm>>
    tpu.enqueue_dma source(%dma_start3A_31 : memref<1x128xi32, #tpu.memory_space<hbm>>) target(%arg10 : memref<1x128xi32, #tpu.memory_space<vmem>>) target_semaphore(%arg16 : memref<!tpu.dma_semaphore, #tpu.memory_space<semaphore_mem>>)
    %scan3A = arith.constant 0 : i32
    %scan3A_32 = arith.constant 0 : i32
    %scan3A_33 = arith.constant 40 : i32
    %scan3A_34 = arith.addi %scan3A_32, %scan3A_33 : i32
    %scan3A_35 = arith.constant 1 : i32
    scf.for %scan3A_63 = %scan3A_32 to %scan3A_34 step %scan3A_35  : i32 {
      %mul3A_64 = arith.constant 2 : i32
      %mul3A_65 = arith.muli %mul3A_64, %scan3A_63 : i32
      %add3A_66 = arith.constant 1 : i32
      %add3A_67 = arith.addi %mul3A_65, %add3A_66 : i32
      %mul3A_68 = arith.constant 128 : i32
      %mul3A_69 = arith.muli %add3A_67, %mul3A_68 : i32
      %dma_start3A_70 = tpu.memref_slice %arg9[%mul3A_69] : memref<10240xi32, #tpu.memory_space<vmem>> -> memref<128xi32, #tpu.memory_space<vmem>>
      %dma_start3A_71 = arith.constant 0 : i32
      %dma_start3A_72 = arith.constant 0 : i32
      %dma_start3A_73 = tpu.memref_slice %arg7[%dma_start3A_71, %dma_start3A_72] : memref<10000x64xf32, #tpu.memory_space<vmem_shared>> -> memref<10000x64xf32, #tpu.memory_space<vmem_shared>>
      tpu.enqueue_indirect_dma source(%dma_start3A_73 : memref<10000x64xf32, #tpu.memory_space<vmem_shared>>) target(%arg13 : memref<128x64xf32, #tpu.memory_space<vmem>>) offsets(%dma_start3A_70 : memref<128xi32, #tpu.memory_space<vmem>>) semaphore(%arg15 : memref<!tpu.dma_semaphore, #tpu.memory_space<semaphore_mem>>)
      %mul3A_74 = arith.constant 160 : i32
      %mul3A_75 = arith.muli %arg1, %mul3A_74 : i32
      %add3A_76 = arith.constant 0 : i32
      %add3A_77 = arith.addi %mul3A_75, %add3A_76 : i32
      %add3A_78 = arith.addi %add3A_77, %add3A_67 : i32
      %dma_start3A_79 = arith.constant 0 : i32
      %dma_start3A_80 = tpu.memref_slice %arg4[%add3A_78, %dma_start3A_79] : memref<2560x128xi32, #tpu.memory_space<hbm>> -> memref<1x128xi32, #tpu.memory_space<hbm>>
      %dma_start3A_81 = arith.constant 0 : i32
      %dma_start3A_82 = tpu.memref_slice %arg4[%add3A_78, %dma_start3A_81] : memref<2560x128xi32, #tpu.memory_space<hbm>> -> memref<1x128xi32, #tpu.memory_space<hbm>>
      tpu.enqueue_dma source(%dma_start3A_82 : memref<1x128xi32, #tpu.memory_space<hbm>>) target(%arg11 : memref<1x128xi32, #tpu.memory_space<vmem>>) target_semaphore(%arg17 : memref<!tpu.dma_semaphore, #tpu.memory_space<semaphore_mem>>)
      %dma_wait3A = arith.constant 0 : i32
      %dma_wait3A_83 = tpu.memref_slice %arg9[%dma_wait3A] : memref<10240xi32, #tpu.memory_space<vmem>> -> memref<128xi32, #tpu.memory_space<vmem>>
      %dma_wait3A_84 = arith.constant 0 : i32
      %dma_wait3A_85 = arith.constant 0 : i32
      %dma_wait3A_86 = tpu.memref_slice %arg7[%dma_wait3A_84, %dma_wait3A_85] : memref<10000x64xf32, #tpu.memory_space<vmem_shared>> -> memref<10000x64xf32, #tpu.memory_space<vmem_shared>>
      tpu.wait_indirect_dma semaphore(%arg14 : memref<!tpu.dma_semaphore, #tpu.memory_space<semaphore_mem>>) src(%dma_wait3A_86 : memref<10000x64xf32, #tpu.memory_space<vmem_shared>>) dst(%arg12 : memref<128x64xf32, #tpu.memory_space<vmem>>)
      %dma_wait3A_87 = arith.constant 0 : i32
      %dma_wait3A_88 = arith.constant 0 : i32
      %dma_wait3A_89 = tpu.memref_slice %arg4[%dma_wait3A_87, %dma_wait3A_88] : memref<2560x128xi32, #tpu.memory_space<hbm>> -> memref<1x128xi32, #tpu.memory_space<hbm>>
      %dma_wait3A_90 = arith.constant 0 : i32
      %dma_wait3A_91 = arith.constant 0 : i32
      %dma_wait3A_92 = tpu.memref_slice %arg4[%dma_wait3A_90, %dma_wait3A_91] : memref<2560x128xi32, #tpu.memory_space<hbm>> -> memref<1x128xi32, #tpu.memory_space<hbm>>
      tpu.wait_dma2 semaphore(%arg16 : memref<!tpu.dma_semaphore, #tpu.memory_space<semaphore_mem>>) src(%dma_wait3A_92 : memref<1x128xi32, #tpu.memory_space<hbm>>) dst(%arg10 : memref<1x128xi32, #tpu.memory_space<vmem>>)
      %run_scoped3A = arith.constant 0 : i32
      "tpu.region"() ({
        %run_scoped3A_111 = tpu.sem_alloc : memref<!tpu.dma_semaphore, #tpu.memory_space<semaphore_mem>>
        %dma_start3A_112 = arith.constant 0 : i32
        %dma_start3A_113 = tpu.memref_slice %arg10[%run_scoped3A, %dma_start3A_112] : memref<1x128xi32, #tpu.memory_space<vmem>> -> memref<1x128xi32, #tpu.memory_space<vmem>>
        %dma_start3A_114 = tpu.memref_squeeze %dma_start3A_113 : memref<1x128xi32, #tpu.memory_space<vmem>> -> memref<128xi32, #tpu.memory_space<vmem>>
        %dma_start3A_115 = arith.constant 0 : i32
        %dma_start3A_116 = arith.constant 0 : i32
        %dma_start3A_117 = tpu.memref_slice %arg8[%dma_start3A_115, %dma_start3A_116] : memref<10112x64xf32, #tpu.memory_space<vmem_shared>> -> memref<10112x64xf32, #tpu.memory_space<vmem_shared>>
        tpu.enqueue_indirect_dma source(%arg12 : memref<128x64xf32, #tpu.memory_space<vmem>>) target(%dma_start3A_117 : memref<10112x64xf32, #tpu.memory_space<vmem_shared>>) offsets(%dma_start3A_114 : memref<128xi32, #tpu.memory_space<vmem>>) semaphore(%run_scoped3A_111 : memref<!tpu.dma_semaphore, #tpu.memory_space<semaphore_mem>>) {add = true}
        %dma_wait3A_118 = arith.constant 0 : i32
        %dma_wait3A_119 = tpu.memref_slice %arg10[%run_scoped3A, %dma_wait3A_118] : memref<1x128xi32, #tpu.memory_space<vmem>> -> memref<1x128xi32, #tpu.memory_space<vmem>>
        %dma_wait3A_120 = tpu.memref_squeeze %dma_wait3A_119 : memref<1x128xi32, #tpu.memory_space<vmem>> -> memref<128xi32, #tpu.memory_space<vmem>>
        %dma_wait3A_121 = arith.constant 0 : i32
        %dma_wait3A_122 = arith.constant 0 : i32
        %dma_wait3A_123 = tpu.memref_slice %arg8[%dma_wait3A_121, %dma_wait3A_122] : memref<10112x64xf32, #tpu.memory_space<vmem_shared>> -> memref<10112x64xf32, #tpu.memory_space<vmem_shared>>
        tpu.wait_indirect_dma semaphore(%run_scoped3A_111 : memref<!tpu.dma_semaphore, #tpu.memory_space<semaphore_mem>>) src(%arg12 : memref<128x64xf32, #tpu.memory_space<vmem>>) dst(%dma_wait3A_123 : memref<10112x64xf32, #tpu.memory_space<vmem_shared>>)
        tpu.yield
      }) : () -> ()
      %add3A_93 = arith.constant 1 : i32
      %add3A_94 = arith.addi %add3A_67, %add3A_93 : i32
      %lt3A = arith.constant 80 : i32
      %lt3A_95 = arith.cmpi slt, %add3A_94, %lt3A : i32
      %convert_element_type3A_96 = arith.extui %lt3A_95 : i1 to i32
      %cond3A_97 = arith.constant 0 : i32
      %cond3A_98 = arith.cmpi ne, %convert_element_type3A_96, %cond3A_97 : i32
      scf.if %cond3A_98 {
        %add3A_111 = arith.constant 1 : i32
        %add3A_112 = arith.addi %add3A_67, %add3A_111 : i32
        %mul3A_113 = arith.constant 128 : i32
        %mul3A_114 = arith.muli %add3A_112, %mul3A_113 : i32
        %dma_start3A_115 = tpu.memref_slice %arg9[%mul3A_114] : memref<10240xi32, #tpu.memory_space<vmem>> -> memref<128xi32, #tpu.memory_space<vmem>>
        %dma_start3A_116 = arith.constant 0 : i32
        %dma_start3A_117 = arith.constant 0 : i32
        %dma_start3A_118 = tpu.memref_slice %arg7[%dma_start3A_116, %dma_start3A_117] : memref<10000x64xf32, #tpu.memory_space<vmem_shared>> -> memref<10000x64xf32, #tpu.memory_space<vmem_shared>>
        tpu.enqueue_indirect_dma source(%dma_start3A_118 : memref<10000x64xf32, #tpu.memory_space<vmem_shared>>) target(%arg12 : memref<128x64xf32, #tpu.memory_space<vmem>>) offsets(%dma_start3A_115 : memref<128xi32, #tpu.memory_space<vmem>>) semaphore(%arg14 : memref<!tpu.dma_semaphore, #tpu.memory_space<semaphore_mem>>)
        %mul3A_119 = arith.constant 160 : i32
        %mul3A_120 = arith.muli %arg1, %mul3A_119 : i32
        %add3A_121 = arith.constant 0 : i32
        %add3A_122 = arith.addi %mul3A_120, %add3A_121 : i32
        %add3A_123 = arith.addi %add3A_122, %add3A_112 : i32
        %dma_start3A_124 = arith.constant 0 : i32
        %dma_start3A_125 = tpu.memref_slice %arg4[%add3A_123, %dma_start3A_124] : memref<2560x128xi32, #tpu.memory_space<hbm>> -> memref<1x128xi32, #tpu.memory_space<hbm>>
        %dma_start3A_126 = arith.constant 0 : i32
        %dma_start3A_127 = tpu.memref_slice %arg4[%add3A_123, %dma_start3A_126] : memref<2560x128xi32, #tpu.memory_space<hbm>> -> memref<1x128xi32, #tpu.memory_space<hbm>>
        tpu.enqueue_dma source(%dma_start3A_127 : memref<1x128xi32, #tpu.memory_space<hbm>>) target(%arg10 : memref<1x128xi32, #tpu.memory_space<vmem>>) target_semaphore(%arg16 : memref<!tpu.dma_semaphore, #tpu.memory_space<semaphore_mem>>)
      } else {
      }
      %dma_wait3A_99 = arith.constant 0 : i32
      %dma_wait3A_100 = tpu.memref_slice %arg9[%dma_wait3A_99] : memref<10240xi32, #tpu.memory_space<vmem>> -> memref<128xi32, #tpu.memory_space<vmem>>
      %dma_wait3A_101 = arith.constant 0 : i32
      %dma_wait3A_102 = arith.constant 0 : i32
      %dma_wait3A_103 = tpu.memref_slice %arg7[%dma_wait3A_101, %dma_wait3A_102] : memref<10000x64xf32, #tpu.memory_space<vmem_shared>> -> memref<10000x64xf32, #tpu.memory_space<vmem_shared>>
      tpu.wait_indirect_dma semaphore(%arg15 : memref<!tpu.dma_semaphore, #tpu.memory_space<semaphore_mem>>) src(%dma_wait3A_103 : memref<10000x64xf32, #tpu.memory_space<vmem_shared>>) dst(%arg13 : memref<128x64xf32, #tpu.memory_space<vmem>>)
      %dma_wait3A_104 = arith.constant 0 : i32
      %dma_wait3A_105 = arith.constant 0 : i32
      %dma_wait3A_106 = tpu.memref_slice %arg4[%dma_wait3A_104, %dma_wait3A_105] : memref<2560x128xi32, #tpu.memory_space<hbm>> -> memref<1x128xi32, #tpu.memory_space<hbm>>
      %dma_wait3A_107 = arith.constant 0 : i32
      %dma_wait3A_108 = arith.constant 0 : i32
      %dma_wait3A_109 = tpu.memref_slice %arg4[%dma_wait3A_107, %dma_wait3A_108] : memref<2560x128xi32, #tpu.memory_space<hbm>> -> memref<1x128xi32, #tpu.memory_space<hbm>>
      tpu.wait_dma2 semaphore(%arg17 : memref<!tpu.dma_semaphore, #tpu.memory_space<semaphore_mem>>) src(%dma_wait3A_109 : memref<1x128xi32, #tpu.memory_space<hbm>>) dst(%arg11 : memref<1x128xi32, #tpu.memory_space<vmem>>)
      %run_scoped3A_110 = arith.constant 0 : i32
      "tpu.region"() ({
        %run_scoped3A_111 = tpu.sem_alloc : memref<!tpu.dma_semaphore, #tpu.memory_space<semaphore_mem>>
        %dma_start3A_112 = arith.constant 0 : i32
        %dma_start3A_113 = tpu.memref_slice %arg11[%run_scoped3A_110, %dma_start3A_112] : memref<1x128xi32, #tpu.memory_space<vmem>> -> memref<1x128xi32, #tpu.memory_space<vmem>>
        %dma_start3A_114 = tpu.memref_squeeze %dma_start3A_113 : memref<1x128xi32, #tpu.memory_space<vmem>> -> memref<128xi32, #tpu.memory_space<vmem>>
        %dma_start3A_115 = arith.constant 0 : i32
        %dma_start3A_116 = arith.constant 0 : i32
        %dma_start3A_117 = tpu.memref_slice %arg8[%dma_start3A_115, %dma_start3A_116] : memref<10112x64xf32, #tpu.memory_space<vmem_shared>> -> memref<10112x64xf32, #tpu.memory_space<vmem_shared>>
        tpu.enqueue_indirect_dma source(%arg13 : memref<128x64xf32, #tpu.memory_space<vmem>>) target(%dma_start3A_117 : memref<10112x64xf32, #tpu.memory_space<vmem_shared>>) offsets(%dma_start3A_114 : memref<128xi32, #tpu.memory_space<vmem>>) semaphore(%run_scoped3A_111 : memref<!tpu.dma_semaphore, #tpu.memory_space<semaphore_mem>>) {add = true}
        %dma_wait3A_118 = arith.constant 0 : i32
        %dma_wait3A_119 = tpu.memref_slice %arg11[%run_scoped3A_110, %dma_wait3A_118] : memref<1x128xi32, #tpu.memory_space<vmem>> -> memref<1x128xi32, #tpu.memory_space<vmem>>
        %dma_wait3A_120 = tpu.memref_squeeze %dma_wait3A_119 : memref<1x128xi32, #tpu.memory_space<vmem>> -> memref<128xi32, #tpu.memory_space<vmem>>
        %dma_wait3A_121 = arith.constant 0 : i32
        %dma_wait3A_122 = arith.constant 0 : i32
        %dma_wait3A_123 = tpu.memref_slice %arg8[%dma_wait3A_121, %dma_wait3A_122] : memref<10112x64xf32, #tpu.memory_space<vmem_shared>> -> memref<10112x64xf32, #tpu.memory_space<vmem_shared>>
        tpu.wait_indirect_dma semaphore(%run_scoped3A_111 : memref<!tpu.dma_semaphore, #tpu.memory_space<semaphore_mem>>) src(%arg13 : memref<128x64xf32, #tpu.memory_space<vmem>>) dst(%dma_wait3A_123 : memref<10112x64xf32, #tpu.memory_space<vmem_shared>>)
        tpu.yield
      }) : () -> ()
    }
    %scan3A_36 = arith.constant 40 : i32
    %mul3A_37 = arith.constant 20480 : i32
    %mul3A_38 = arith.muli %arg1, %mul3A_37 : i32
    %add3A_39 = arith.constant 10240 : i32
    %add3A_40 = arith.addi %mul3A_38, %add3A_39 : i32
    "tpu.region"() ({
      %run_scoped3A = tpu.sem_alloc : memref<!tpu.dma_semaphore, #tpu.memory_space<semaphore_mem>>
      %dma_start3A_63 = tpu.memref_slice %arg3[%add3A_40] : memref<327680xi32, #tpu.memory_space<hbm>> -> memref<10240xi32, #tpu.memory_space<hbm>>
      %dma_start3A_64 = tpu.memref_slice %arg3[%add3A_40] : memref<327680xi32, #tpu.memory_space<hbm>> -> memref<10240xi32, #tpu.memory_space<hbm>>
      tpu.enqueue_dma source(%dma_start3A_64 : memref<10240xi32, #tpu.memory_space<hbm>>) target(%arg9 : memref<10240xi32, #tpu.memory_space<vmem>>) target_semaphore(%run_scoped3A : memref<!tpu.dma_semaphore, #tpu.memory_space<semaphore_mem>>)
      %dma_wait3A = tpu.memref_slice %arg3[%add3A_40] : memref<327680xi32, #tpu.memory_space<hbm>> -> memref<10240xi32, #tpu.memory_space<hbm>>
      %dma_wait3A_65 = tpu.memref_slice %arg3[%add3A_40] : memref<327680xi32, #tpu.memory_space<hbm>> -> memref<10240xi32, #tpu.memory_space<hbm>>
      tpu.wait_dma2 semaphore(%run_scoped3A : memref<!tpu.dma_semaphore, #tpu.memory_space<semaphore_mem>>) src(%dma_wait3A_65 : memref<10240xi32, #tpu.memory_space<hbm>>) dst(%arg9 : memref<10240xi32, #tpu.memory_space<vmem>>)
      tpu.yield
    }) : () -> ()
    %dma_start3A_41 = arith.constant 0 : i32
    %dma_start3A_42 = tpu.memref_slice %arg9[%dma_start3A_41] : memref<10240xi32, #tpu.memory_space<vmem>> -> memref<128xi32, #tpu.memory_space<vmem>>
    %dma_start3A_43 = arith.constant 0 : i32
    %dma_start3A_44 = arith.constant 0 : i32
    %dma_start3A_45 = tpu.memref_slice %arg7[%dma_start3A_43, %dma_start3A_44] : memref<10000x64xf32, #tpu.memory_space<vmem_shared>> -> memref<10000x64xf32, #tpu.memory_space<vmem_shared>>
    tpu.enqueue_indirect_dma source(%dma_start3A_45 : memref<10000x64xf32, #tpu.memory_space<vmem_shared>>) target(%arg12 : memref<128x64xf32, #tpu.memory_space<vmem>>) offsets(%dma_start3A_42 : memref<128xi32, #tpu.memory_space<vmem>>) semaphore(%arg14 : memref<!tpu.dma_semaphore, #tpu.memory_space<semaphore_mem>>)
    %mul3A_46 = arith.constant 160 : i32
    %mul3A_47 = arith.muli %arg1, %mul3A_46 : i32
    %add3A_48 = arith.constant 80 : i32
    %add3A_49 = arith.addi %mul3A_47, %add3A_48 : i32
    %add3A_50 = arith.constant 0 : i32
    %add3A_51 = arith.addi %add3A_49, %add3A_50 : i32
    %dma_start3A_52 = arith.constant 0 : i32
    %dma_start3A_53 = tpu.memref_slice %arg4[%add3A_51, %dma_start3A_52] : memref<2560x128xi32, #tpu.memory_space<hbm>> -> memref<1x128xi32, #tpu.memory_space<hbm>>
    %dma_start3A_54 = arith.constant 0 : i32
    %dma_start3A_55 = tpu.memref_slice %arg4[%add3A_51, %dma_start3A_54] : memref<2560x128xi32, #tpu.memory_space<hbm>> -> memref<1x128xi32, #tpu.memory_space<hbm>>
    tpu.enqueue_dma source(%dma_start3A_55 : memref<1x128xi32, #tpu.memory_space<hbm>>) target(%arg10 : memref<1x128xi32, #tpu.memory_space<vmem>>) target_semaphore(%arg16 : memref<!tpu.dma_semaphore, #tpu.memory_space<semaphore_mem>>)
    %scan3A_56 = arith.constant 0 : i32
    %scan3A_57 = arith.constant 0 : i32
    %scan3A_58 = arith.constant 40 : i32
    %scan3A_59 = arith.addi %scan3A_57, %scan3A_58 : i32
    %scan3A_60 = arith.constant 1 : i32
    scf.for %scan3A_63 = %scan3A_57 to %scan3A_59 step %scan3A_60  : i32 {
      %mul3A_64 = arith.constant 2 : i32
      %mul3A_65 = arith.muli %mul3A_64, %scan3A_63 : i32
      %add3A_66 = arith.constant 1 : i32
      %add3A_67 = arith.addi %mul3A_65, %add3A_66 : i32
      %mul3A_68 = arith.constant 128 : i32
      %mul3A_69 = arith.muli %add3A_67, %mul3A_68 : i32
      %dma_start3A_70 = tpu.memref_slice %arg9[%mul3A_69] : memref<10240xi32, #tpu.memory_space<vmem>> -> memref<128xi32, #tpu.memory_space<vmem>>
      %dma_start3A_71 = arith.constant 0 : i32
      %dma_start3A_72 = arith.constant 0 : i32
      %dma_start3A_73 = tpu.memref_slice %arg7[%dma_start3A_71, %dma_start3A_72] : memref<10000x64xf32, #tpu.memory_space<vmem_shared>> -> memref<10000x64xf32, #tpu.memory_space<vmem_shared>>
      tpu.enqueue_indirect_dma source(%dma_start3A_73 : memref<10000x64xf32, #tpu.memory_space<vmem_shared>>) target(%arg13 : memref<128x64xf32, #tpu.memory_space<vmem>>) offsets(%dma_start3A_70 : memref<128xi32, #tpu.memory_space<vmem>>) semaphore(%arg15 : memref<!tpu.dma_semaphore, #tpu.memory_space<semaphore_mem>>)
      %mul3A_74 = arith.constant 160 : i32
      %mul3A_75 = arith.muli %arg1, %mul3A_74 : i32
      %add3A_76 = arith.constant 80 : i32
      %add3A_77 = arith.addi %mul3A_75, %add3A_76 : i32
      %add3A_78 = arith.addi %add3A_77, %add3A_67 : i32
      %dma_start3A_79 = arith.constant 0 : i32
      %dma_start3A_80 = tpu.memref_slice %arg4[%add3A_78, %dma_start3A_79] : memref<2560x128xi32, #tpu.memory_space<hbm>> -> memref<1x128xi32, #tpu.memory_space<hbm>>
      %dma_start3A_81 = arith.constant 0 : i32
      %dma_start3A_82 = tpu.memref_slice %arg4[%add3A_78, %dma_start3A_81] : memref<2560x128xi32, #tpu.memory_space<hbm>> -> memref<1x128xi32, #tpu.memory_space<hbm>>
      tpu.enqueue_dma source(%dma_start3A_82 : memref<1x128xi32, #tpu.memory_space<hbm>>) target(%arg11 : memref<1x128xi32, #tpu.memory_space<vmem>>) target_semaphore(%arg17 : memref<!tpu.dma_semaphore, #tpu.memory_space<semaphore_mem>>)
      %dma_wait3A = arith.constant 0 : i32
      %dma_wait3A_83 = tpu.memref_slice %arg9[%dma_wait3A] : memref<10240xi32, #tpu.memory_space<vmem>> -> memref<128xi32, #tpu.memory_space<vmem>>
      %dma_wait3A_84 = arith.constant 0 : i32
      %dma_wait3A_85 = arith.constant 0 : i32
      %dma_wait3A_86 = tpu.memref_slice %arg7[%dma_wait3A_84, %dma_wait3A_85] : memref<10000x64xf32, #tpu.memory_space<vmem_shared>> -> memref<10000x64xf32, #tpu.memory_space<vmem_shared>>
      tpu.wait_indirect_dma semaphore(%arg14 : memref<!tpu.dma_semaphore, #tpu.memory_space<semaphore_mem>>) src(%dma_wait3A_86 : memref<10000x64xf32, #tpu.memory_space<vmem_shared>>) dst(%arg12 : memref<128x64xf32, #tpu.memory_space<vmem>>)
      %dma_wait3A_87 = arith.constant 0 : i32
      %dma_wait3A_88 = arith.constant 0 : i32
      %dma_wait3A_89 = tpu.memref_slice %arg4[%dma_wait3A_87, %dma_wait3A_88] : memref<2560x128xi32, #tpu.memory_space<hbm>> -> memref<1x128xi32, #tpu.memory_space<hbm>>
      %dma_wait3A_90 = arith.constant 0 : i32
      %dma_wait3A_91 = arith.constant 0 : i32
      %dma_wait3A_92 = tpu.memref_slice %arg4[%dma_wait3A_90, %dma_wait3A_91] : memref<2560x128xi32, #tpu.memory_space<hbm>> -> memref<1x128xi32, #tpu.memory_space<hbm>>
      tpu.wait_dma2 semaphore(%arg16 : memref<!tpu.dma_semaphore, #tpu.memory_space<semaphore_mem>>) src(%dma_wait3A_92 : memref<1x128xi32, #tpu.memory_space<hbm>>) dst(%arg10 : memref<1x128xi32, #tpu.memory_space<vmem>>)
      %run_scoped3A = arith.constant 0 : i32
      "tpu.region"() ({
        %run_scoped3A_111 = tpu.sem_alloc : memref<!tpu.dma_semaphore, #tpu.memory_space<semaphore_mem>>
        %dma_start3A_112 = arith.constant 0 : i32
        %dma_start3A_113 = tpu.memref_slice %arg10[%run_scoped3A, %dma_start3A_112] : memref<1x128xi32, #tpu.memory_space<vmem>> -> memref<1x128xi32, #tpu.memory_space<vmem>>
        %dma_start3A_114 = tpu.memref_squeeze %dma_start3A_113 : memref<1x128xi32, #tpu.memory_space<vmem>> -> memref<128xi32, #tpu.memory_space<vmem>>
        %dma_start3A_115 = arith.constant 0 : i32
        %dma_start3A_116 = arith.constant 0 : i32
        %dma_start3A_117 = tpu.memref_slice %arg8[%dma_start3A_115, %dma_start3A_116] : memref<10112x64xf32, #tpu.memory_space<vmem_shared>> -> memref<10112x64xf32, #tpu.memory_space<vmem_shared>>
        tpu.enqueue_indirect_dma source(%arg12 : memref<128x64xf32, #tpu.memory_space<vmem>>) target(%dma_start3A_117 : memref<10112x64xf32, #tpu.memory_space<vmem_shared>>) offsets(%dma_start3A_114 : memref<128xi32, #tpu.memory_space<vmem>>) semaphore(%run_scoped3A_111 : memref<!tpu.dma_semaphore, #tpu.memory_space<semaphore_mem>>) {add = true}
        %dma_wait3A_118 = arith.constant 0 : i32
        %dma_wait3A_119 = tpu.memref_slice %arg10[%run_scoped3A, %dma_wait3A_118] : memref<1x128xi32, #tpu.memory_space<vmem>> -> memref<1x128xi32, #tpu.memory_space<vmem>>
        %dma_wait3A_120 = tpu.memref_squeeze %dma_wait3A_119 : memref<1x128xi32, #tpu.memory_space<vmem>> -> memref<128xi32, #tpu.memory_space<vmem>>
        %dma_wait3A_121 = arith.constant 0 : i32
        %dma_wait3A_122 = arith.constant 0 : i32
        %dma_wait3A_123 = tpu.memref_slice %arg8[%dma_wait3A_121, %dma_wait3A_122] : memref<10112x64xf32, #tpu.memory_space<vmem_shared>> -> memref<10112x64xf32, #tpu.memory_space<vmem_shared>>
        tpu.wait_indirect_dma semaphore(%run_scoped3A_111 : memref<!tpu.dma_semaphore, #tpu.memory_space<semaphore_mem>>) src(%arg12 : memref<128x64xf32, #tpu.memory_space<vmem>>) dst(%dma_wait3A_123 : memref<10112x64xf32, #tpu.memory_space<vmem_shared>>)
        tpu.yield
      }) : () -> ()
      %add3A_93 = arith.constant 1 : i32
      %add3A_94 = arith.addi %add3A_67, %add3A_93 : i32
      %lt3A = arith.constant 80 : i32
      %lt3A_95 = arith.cmpi slt, %add3A_94, %lt3A : i32
      %convert_element_type3A_96 = arith.extui %lt3A_95 : i1 to i32
      %cond3A_97 = arith.constant 0 : i32
      %cond3A_98 = arith.cmpi ne, %convert_element_type3A_96, %cond3A_97 : i32
      scf.if %cond3A_98 {
        %add3A_111 = arith.constant 1 : i32
        %add3A_112 = arith.addi %add3A_67, %add3A_111 : i32
        %mul3A_113 = arith.constant 128 : i32
        %mul3A_114 = arith.muli %add3A_112, %mul3A_113 : i32
        %dma_start3A_115 = tpu.memref_slice %arg9[%mul3A_114] : memref<10240xi32, #tpu.memory_space<vmem>> -> memref<128xi32, #tpu.memory_space<vmem>>
        %dma_start3A_116 = arith.constant 0 : i32
        %dma_start3A_117 = arith.constant 0 : i32
        %dma_start3A_118 = tpu.memref_slice %arg7[%dma_start3A_116, %dma_start3A_117] : memref<10000x64xf32, #tpu.memory_space<vmem_shared>> -> memref<10000x64xf32, #tpu.memory_space<vmem_shared>>
        tpu.enqueue_indirect_dma source(%dma_start3A_118 : memref<10000x64xf32, #tpu.memory_space<vmem_shared>>) target(%arg12 : memref<128x64xf32, #tpu.memory_space<vmem>>) offsets(%dma_start3A_115 : memref<128xi32, #tpu.memory_space<vmem>>) semaphore(%arg14 : memref<!tpu.dma_semaphore, #tpu.memory_space<semaphore_mem>>)
        %mul3A_119 = arith.constant 160 : i32
        %mul3A_120 = arith.muli %arg1, %mul3A_119 : i32
        %add3A_121 = arith.constant 80 : i32
        %add3A_122 = arith.addi %mul3A_120, %add3A_121 : i32
        %add3A_123 = arith.addi %add3A_122, %add3A_112 : i32
        %dma_start3A_124 = arith.constant 0 : i32
        %dma_start3A_125 = tpu.memref_slice %arg4[%add3A_123, %dma_start3A_124] : memref<2560x128xi32, #tpu.memory_space<hbm>> -> memref<1x128xi32, #tpu.memory_space<hbm>>
        %dma_start3A_126 = arith.constant 0 : i32
        %dma_start3A_127 = tpu.memref_slice %arg4[%add3A_123, %dma_start3A_126] : memref<2560x128xi32, #tpu.memory_space<hbm>> -> memref<1x128xi32, #tpu.memory_space<hbm>>
        tpu.enqueue_dma source(%dma_start3A_127 : memref<1x128xi32, #tpu.memory_space<hbm>>) target(%arg10 : memref<1x128xi32, #tpu.memory_space<vmem>>) target_semaphore(%arg16 : memref<!tpu.dma_semaphore, #tpu.memory_space<semaphore_mem>>)
      } else {
      }
      %dma_wait3A_99 = arith.constant 0 : i32
      %dma_wait3A_100 = tpu.memref_slice %arg9[%dma_wait3A_99] : memref<10240xi32, #tpu.memory_space<vmem>> -> memref<128xi32, #tpu.memory_space<vmem>>
      %dma_wait3A_101 = arith.constant 0 : i32
      %dma_wait3A_102 = arith.constant 0 : i32
      %dma_wait3A_103 = tpu.memref_slice %arg7[%dma_wait3A_101, %dma_wait3A_102] : memref<10000x64xf32, #tpu.memory_space<vmem_shared>> -> memref<10000x64xf32, #tpu.memory_space<vmem_shared>>
      tpu.wait_indirect_dma semaphore(%arg15 : memref<!tpu.dma_semaphore, #tpu.memory_space<semaphore_mem>>) src(%dma_wait3A_103 : memref<10000x64xf32, #tpu.memory_space<vmem_shared>>) dst(%arg13 : memref<128x64xf32, #tpu.memory_space<vmem>>)
      %dma_wait3A_104 = arith.constant 0 : i32
      %dma_wait3A_105 = arith.constant 0 : i32
      %dma_wait3A_106 = tpu.memref_slice %arg4[%dma_wait3A_104, %dma_wait3A_105] : memref<2560x128xi32, #tpu.memory_space<hbm>> -> memref<1x128xi32, #tpu.memory_space<hbm>>
      %dma_wait3A_107 = arith.constant 0 : i32
      %dma_wait3A_108 = arith.constant 0 : i32
      %dma_wait3A_109 = tpu.memref_slice %arg4[%dma_wait3A_107, %dma_wait3A_108] : memref<2560x128xi32, #tpu.memory_space<hbm>> -> memref<1x128xi32, #tpu.memory_space<hbm>>
      tpu.wait_dma2 semaphore(%arg17 : memref<!tpu.dma_semaphore, #tpu.memory_space<semaphore_mem>>) src(%dma_wait3A_109 : memref<1x128xi32, #tpu.memory_space<hbm>>) dst(%arg11 : memref<1x128xi32, #tpu.memory_space<vmem>>)
      %run_scoped3A_110 = arith.constant 0 : i32
      "tpu.region"() ({
        %run_scoped3A_111 = tpu.sem_alloc : memref<!tpu.dma_semaphore, #tpu.memory_space<semaphore_mem>>
        %dma_start3A_112 = arith.constant 0 : i32
        %dma_start3A_113 = tpu.memref_slice %arg11[%run_scoped3A_110, %dma_start3A_112] : memref<1x128xi32, #tpu.memory_space<vmem>> -> memref<1x128xi32, #tpu.memory_space<vmem>>
        %dma_start3A_114 = tpu.memref_squeeze %dma_start3A_113 : memref<1x128xi32, #tpu.memory_space<vmem>> -> memref<128xi32, #tpu.memory_space<vmem>>
        %dma_start3A_115 = arith.constant 0 : i32
        %dma_start3A_116 = arith.constant 0 : i32
        %dma_start3A_117 = tpu.memref_slice %arg8[%dma_start3A_115, %dma_start3A_116] : memref<10112x64xf32, #tpu.memory_space<vmem_shared>> -> memref<10112x64xf32, #tpu.memory_space<vmem_shared>>
        tpu.enqueue_indirect_dma source(%arg13 : memref<128x64xf32, #tpu.memory_space<vmem>>) target(%dma_start3A_117 : memref<10112x64xf32, #tpu.memory_space<vmem_shared>>) offsets(%dma_start3A_114 : memref<128xi32, #tpu.memory_space<vmem>>) semaphore(%run_scoped3A_111 : memref<!tpu.dma_semaphore, #tpu.memory_space<semaphore_mem>>) {add = true}
        %dma_wait3A_118 = arith.constant 0 : i32
        %dma_wait3A_119 = tpu.memref_slice %arg11[%run_scoped3A_110, %dma_wait3A_118] : memref<1x128xi32, #tpu.memory_space<vmem>> -> memref<1x128xi32, #tpu.memory_space<vmem>>
        %dma_wait3A_120 = tpu.memref_squeeze %dma_wait3A_119 : memref<1x128xi32, #tpu.memory_space<vmem>> -> memref<128xi32, #tpu.memory_space<vmem>>
        %dma_wait3A_121 = arith.constant 0 : i32
        %dma_wait3A_122 = arith.constant 0 : i32
        %dma_wait3A_123 = tpu.memref_slice %arg8[%dma_wait3A_121, %dma_wait3A_122] : memref<10112x64xf32, #tpu.memory_space<vmem_shared>> -> memref<10112x64xf32, #tpu.memory_space<vmem_shared>>
        tpu.wait_indirect_dma semaphore(%run_scoped3A_111 : memref<!tpu.dma_semaphore, #tpu.memory_space<semaphore_mem>>) src(%arg13 : memref<128x64xf32, #tpu.memory_space<vmem>>) dst(%dma_wait3A_123 : memref<10112x64xf32, #tpu.memory_space<vmem_shared>>)
        tpu.yield
      }) : () -> ()
    }
    %scan3A_61 = arith.constant 40 : i32
    %barrier3A_62 = arith.constant 0 : index
    tpu.barrier barrier_id(%barrier3A_62)
    "tpu.region"() ({
      %run_scoped3A = tpu.sem_alloc : memref<!tpu.dma_semaphore, #tpu.memory_space<semaphore_mem>>
      %dma_start3A_63 = arith.constant 0 : i32
      %dma_start3A_64 = arith.constant 0 : i32
      %dma_start3A_65 = tpu.memref_slice %arg6[%arg0, %arg1, %dma_start3A_63, %dma_start3A_64] : memref<2x16x632x64xf32, #tpu.memory_space<hbm>> -> memref<1x1x632x64xf32, #tpu.memory_space<hbm>>
      %dma_start3A_66 = tpu.memref_squeeze %dma_start3A_65 : memref<1x1x632x64xf32, #tpu.memory_space<hbm>> -> memref<632x64xf32, #tpu.memory_space<hbm>>
      %dma_start3A_67 = arith.constant 0 : i32
      %dma_start3A_68 = tpu.memref_slice %arg8[%mul3A_4, %dma_start3A_67] : memref<10112x64xf32, #tpu.memory_space<vmem_shared>> -> memref<632x64xf32, #tpu.memory_space<vmem_shared>>
      tpu.enqueue_dma source(%dma_start3A_68 : memref<632x64xf32, #tpu.memory_space<vmem_shared>>) target(%dma_start3A_66 : memref<632x64xf32, #tpu.memory_space<hbm>>) target_semaphore(%run_scoped3A : memref<!tpu.dma_semaphore, #tpu.memory_space<semaphore_mem>>)
      %dma_wait3A = arith.constant 0 : i32
      %dma_wait3A_69 = arith.constant 0 : i32
      %dma_wait3A_70 = tpu.memref_slice %arg6[%arg0, %arg1, %dma_wait3A, %dma_wait3A_69] : memref<2x16x632x64xf32, #tpu.memory_space<hbm>> -> memref<1x1x632x64xf32, #tpu.memory_space<hbm>>
      %dma_wait3A_71 = tpu.memref_squeeze %dma_wait3A_70 : memref<1x1x632x64xf32, #tpu.memory_space<hbm>> -> memref<632x64xf32, #tpu.memory_space<hbm>>
      %dma_wait3A_72 = arith.constant 0 : i32
      %dma_wait3A_73 = tpu.memref_slice %arg8[%mul3A_4, %dma_wait3A_72] : memref<10112x64xf32, #tpu.memory_space<vmem_shared>> -> memref<632x64xf32, #tpu.memory_space<vmem_shared>>
      tpu.wait_dma2 semaphore(%run_scoped3A : memref<!tpu.dma_semaphore, #tpu.memory_space<semaphore_mem>>) src(%dma_wait3A_73 : memref<632x64xf32, #tpu.memory_space<vmem_shared>>) dst(%dma_wait3A_71 : memref<632x64xf32, #tpu.memory_space<hbm>>)
      tpu.yield
    }) : () -> ()
    return
  }
}

module attributes {stable_mosaic.version = 14 : i64} {
  func.func @_mlp1_body(%arg0: i32, %arg1: memref<2000x128xf32, #tpu.memory_space<vmem>>, %arg2: memref<1x2000x64xf32, #tpu.memory_space<vmem>>, %arg3: memref<1x2000x64xf32, #tpu.memory_space<vmem>>, %arg4: memref<128x128xf32, #tpu.memory_space<vmem>>, %arg5: memref<1x128xf32, #tpu.memory_space<vmem>>, %arg6: memref<128x128xf32, #tpu.memory_space<vmem>>, %arg7: memref<1x128xf32, #tpu.memory_space<vmem>>, %arg8: memref<2x2000x64xf32, #tpu.memory_space<vmem>>) attributes {dimension_semantics = [#tpu.dimension_semantics<arbitrary>], iteration_bounds = array<i64: 5>, scalar_prefetch = 0 : i64, scratch_operands = 0 : i64, tpu.core_type = #tpu.core_type<tc>, window_params = [{transform_indices = @transform_0, window_bounds = array<i64: 2000, 128>}, {transform_indices = @transform_1, window_bounds = array<i64: 1, 2000, 64>}, {transform_indices = @transform_2, window_bounds = array<i64: 1, 2000, 64>}, {pipeline_mode = #tpu.pipeline_mode<synchronous>, transform_indices = @transform_3, window_bounds = array<i64: 128, 128>}, {pipeline_mode = #tpu.pipeline_mode<synchronous>, transform_indices = @transform_4, window_bounds = array<i64: 1, 128>}, {pipeline_mode = #tpu.pipeline_mode<synchronous>, transform_indices = @transform_5, window_bounds = array<i64: 128, 128>}, {pipeline_mode = #tpu.pipeline_mode<synchronous>, transform_indices = @transform_6, window_bounds = array<i64: 1, 128>}, {transform_indices = @transform_7, window_bounds = array<i64: 2, 2000, 64>}]} {
    %get3A = arith.constant 0 : index
    %get3A_0 = arith.constant 0 : index
    %get3A_1 = arith.constant 0 : index
    %get3A_2 = vector.load %arg2[%get3A, %get3A_0, %get3A_1] : memref<1x2000x64xf32, #tpu.memory_space<vmem>>, vector<1x2000x64xf32>
    %get3A_3 = vector.shape_cast %get3A_2 : vector<1x2000x64xf32> to vector<2000x64xf32>
    %get3A_4 = arith.constant 0 : index
    %get3A_5 = arith.constant 0 : index
    %get3A_6 = arith.constant 0 : index
    %get3A_7 = vector.load %arg3[%get3A_4, %get3A_5, %get3A_6] : memref<1x2000x64xf32, #tpu.memory_space<vmem>>, vector<1x2000x64xf32>
    %get3A_8 = vector.shape_cast %get3A_7 : vector<1x2000x64xf32> to vector<2000x64xf32>
    %concatenate3A = tpu.concatenate %get3A_3, %get3A_8 in 1 : vector<2000x64xf32>, vector<2000x64xf32> -> vector<2000x128xf32>
    %get3A_9 = arith.constant 0 : index
    %get3A_10 = arith.constant 0 : index
    %get3A_11 = vector.load %arg1[%get3A_9, %get3A_10] : memref<2000x128xf32, #tpu.memory_space<vmem>>, vector<2000x128xf32>
    %add3A = arith.addf %get3A_11, %concatenate3A : vector<2000x128xf32>
    %get3A_12 = arith.constant 0 : index
    %get3A_13 = arith.constant 0 : index
    %get3A_14 = vector.load %arg4[%get3A_12, %get3A_13] : memref<128x128xf32, #tpu.memory_space<vmem>>, vector<128x128xf32>
    %dot_general3A = arith.constant dense<0.000000e+00> : vector<2000x128xf32>
    %dot_general3A_15 = tpu.matmul %add3A, %get3A_14, %dot_general3A {dimension_numbers = #tpu.dot_dimension_numbers<[1], [0], [0], [1], [0, 0, 1, 1], [], []>, transpose_lhs_hint = false} : vector<2000x128xf32>, vector<128x128xf32>, vector<2000x128xf32> -> vector<2000x128xf32>
    %get3A_16 = arith.constant 0 : index
    %get3A_17 = arith.constant 0 : index
    %get3A_18 = vector.load %arg5[%get3A_16, %get3A_17] : memref<1x128xf32, #tpu.memory_space<vmem>>, vector<1x128xf32>
    %add3A_19 = vector.broadcast %get3A_18 : vector<1x128xf32> to vector<2000x128xf32>
    %add3A_20 = arith.addf %dot_general3A_15, %add3A_19 : vector<2000x128xf32>
    %max3A = arith.constant 0.000000e+00 : f32
    %max3A_21 = vector.broadcast %max3A : f32 to vector<2000x128xf32>
    %max3A_22 = arith.maximumf %add3A_20, %max3A_21 : vector<2000x128xf32>
    %get3A_23 = arith.constant 0 : index
    %get3A_24 = arith.constant 0 : index
    %get3A_25 = vector.load %arg6[%get3A_23, %get3A_24] : memref<128x128xf32, #tpu.memory_space<vmem>>, vector<128x128xf32>
    %dot_general3A_26 = arith.constant dense<0.000000e+00> : vector<2000x128xf32>
    %dot_general3A_27 = tpu.matmul %max3A_22, %get3A_25, %dot_general3A_26 {dimension_numbers = #tpu.dot_dimension_numbers<[1], [0], [0], [1], [0, 0, 1, 1], [], []>, transpose_lhs_hint = false} : vector<2000x128xf32>, vector<128x128xf32>, vector<2000x128xf32> -> vector<2000x128xf32>
    %get3A_28 = arith.constant 0 : index
    %get3A_29 = arith.constant 0 : index
    %get3A_30 = vector.load %arg7[%get3A_28, %get3A_29] : memref<1x128xf32, #tpu.memory_space<vmem>>, vector<1x128xf32>
    %add3A_31 = vector.broadcast %get3A_30 : vector<1x128xf32> to vector<2000x128xf32>
    %add3A_32 = arith.addf %dot_general3A_27, %add3A_31 : vector<2000x128xf32>
    %max3A_33 = arith.constant 0.000000e+00 : f32
    %max3A_34 = vector.broadcast %max3A_33 : f32 to vector<2000x128xf32>
    %max3A_35 = arith.maximumf %add3A_32, %max3A_34 : vector<2000x128xf32>
    %slice3A = vector.extract_strided_slice %max3A_35 {offsets = [0, 0], sizes = [2000, 64], strides = [1, 1]} : vector<2000x128xf32> to vector<2000x64xf32>
    %swap3A = arith.constant 0 : index
    %swap3A_36 = arith.constant 0 : index
    %swap3A_37 = arith.constant 0 : index
    %swap3A_38 = vector.load %arg8[%swap3A, %swap3A_36, %swap3A_37] : memref<2x2000x64xf32, #tpu.memory_space<vmem>>, vector<1x2000x64xf32>
    %swap3A_39 = vector.shape_cast %swap3A_38 : vector<1x2000x64xf32> to vector<2000x64xf32>
    %swap3A_40 = vector.shape_cast %slice3A : vector<2000x64xf32> to vector<1x2000x64xf32>
    tpu.vector_store %arg8[%swap3A, %swap3A_36, %swap3A_37], %swap3A_40 {strides = array<i32>} : memref<2x2000x64xf32, #tpu.memory_space<vmem>>, vector<1x2000x64xf32>,
    %slice3A_41 = vector.extract_strided_slice %max3A_35 {offsets = [0, 64], sizes = [2000, 64], strides = [1, 1]} : vector<2000x128xf32> to vector<2000x64xf32>
    %swap3A_42 = arith.constant 1 : index
    %swap3A_43 = arith.constant 0 : index
    %swap3A_44 = arith.constant 0 : index
    %swap3A_45 = vector.load %arg8[%swap3A_42, %swap3A_43, %swap3A_44] : memref<2x2000x64xf32, #tpu.memory_space<vmem>>, vector<1x2000x64xf32>
    %swap3A_46 = vector.shape_cast %swap3A_45 : vector<1x2000x64xf32> to vector<2000x64xf32>
    %swap3A_47 = vector.shape_cast %slice3A_41 : vector<2000x64xf32> to vector<1x2000x64xf32>
    tpu.vector_store %arg8[%swap3A_42, %swap3A_43, %swap3A_44], %swap3A_47 {strides = array<i32>} : memref<2x2000x64xf32, #tpu.memory_space<vmem>>, vector<1x2000x64xf32>,
    return
  }
  func.func @transform_0(%arg0: i32) -> (i32, i32) {
    %c0_i32 = arith.constant 0 : i32
    %c0_i32_0 = arith.constant 0 : i32
    return %arg0, %c0_i32 : i32, i32
  }
  func.func @transform_1(%arg0: i32) -> (i32, i32, i32) {
    %c0_i32 = arith.constant 0 : i32
    %c0_i32_0 = arith.constant 0 : i32
    %c0_i32_1 = arith.constant 0 : i32
    return %c0_i32, %arg0, %c0_i32_0 : i32, i32, i32
  }
  func.func @transform_2(%arg0: i32) -> (i32, i32, i32) {
    %c1_i32 = arith.constant 1 : i32
    %c0_i32 = arith.constant 0 : i32
    %c0_i32_0 = arith.constant 0 : i32
    return %c1_i32, %arg0, %c0_i32 : i32, i32, i32
  }
  func.func @transform_3(%arg0: i32) -> (i32, i32) {
    %c0_i32 = arith.constant 0 : i32
    %c0_i32_0 = arith.constant 0 : i32
    %c0_i32_1 = arith.constant 0 : i32
    return %c0_i32, %c0_i32_0 : i32, i32
  }
  func.func @transform_4(%arg0: i32) -> (i32, i32) {
    %c0_i32 = arith.constant 0 : i32
    %c0_i32_0 = arith.constant 0 : i32
    %c0_i32_1 = arith.constant 0 : i32
    return %c0_i32, %c0_i32_0 : i32, i32
  }
  func.func @transform_5(%arg0: i32) -> (i32, i32) {
    %c0_i32 = arith.constant 0 : i32
    %c0_i32_0 = arith.constant 0 : i32
    %c0_i32_1 = arith.constant 0 : i32
    return %c0_i32, %c0_i32_0 : i32, i32
  }
  func.func @transform_6(%arg0: i32) -> (i32, i32) {
    %c0_i32 = arith.constant 0 : i32
    %c0_i32_0 = arith.constant 0 : i32
    %c0_i32_1 = arith.constant 0 : i32
    return %c0_i32, %c0_i32_0 : i32, i32
  }
  func.func @transform_7(%arg0: i32) -> (i32, i32, i32) {
    %c0_i32 = arith.constant 0 : i32
    %c0_i32_0 = arith.constant 0 : i32
    %c0_i32_1 = arith.constant 0 : i32
    return %c0_i32, %arg0, %c0_i32_0 : i32, i32, i32
  }
}

module attributes {stable_mosaic.version = 14 : i64} {
  func.func @_mlp2_body(%arg0: i32, %arg1: memref<2000x128xf32, #tpu.memory_space<vmem>>, %arg2: memref<1x2000x64xf32, #tpu.memory_space<vmem>>, %arg3: memref<1x2000x64xf32, #tpu.memory_space<vmem>>, %arg4: memref<1x2000x64xf32, #tpu.memory_space<vmem>>, %arg5: memref<1x2000x64xf32, #tpu.memory_space<vmem>>, %arg6: memref<128x128xf32, #tpu.memory_space<vmem>>, %arg7: memref<1x128xf32, #tpu.memory_space<vmem>>, %arg8: memref<128x128xf32, #tpu.memory_space<vmem>>, %arg9: memref<1x128xf32, #tpu.memory_space<vmem>>, %arg10: memref<2000x384xf32, #tpu.memory_space<vmem>>) attributes {dimension_semantics = [#tpu.dimension_semantics<arbitrary>], iteration_bounds = array<i64: 5>, scalar_prefetch = 0 : i64, scratch_operands = 0 : i64, tpu.core_type = #tpu.core_type<tc>, window_params = [{transform_indices = @transform_0, window_bounds = array<i64: 2000, 128>}, {transform_indices = @transform_1, window_bounds = array<i64: 1, 2000, 64>}, {transform_indices = @transform_2, window_bounds = array<i64: 1, 2000, 64>}, {transform_indices = @transform_3, window_bounds = array<i64: 1, 2000, 64>}, {transform_indices = @transform_4, window_bounds = array<i64: 1, 2000, 64>}, {pipeline_mode = #tpu.pipeline_mode<synchronous>, transform_indices = @transform_5, window_bounds = array<i64: 128, 128>}, {pipeline_mode = #tpu.pipeline_mode<synchronous>, transform_indices = @transform_6, window_bounds = array<i64: 1, 128>}, {pipeline_mode = #tpu.pipeline_mode<synchronous>, transform_indices = @transform_7, window_bounds = array<i64: 128, 128>}, {pipeline_mode = #tpu.pipeline_mode<synchronous>, transform_indices = @transform_8, window_bounds = array<i64: 1, 128>}, {transform_indices = @transform_9, window_bounds = array<i64: 2000, 384>}]} {
    %get3A = arith.constant 0 : index
    %get3A_0 = arith.constant 0 : index
    %get3A_1 = arith.constant 0 : index
    %get3A_2 = vector.load %arg2[%get3A, %get3A_0, %get3A_1] : memref<1x2000x64xf32, #tpu.memory_space<vmem>>, vector<1x2000x64xf32>
    %get3A_3 = vector.shape_cast %get3A_2 : vector<1x2000x64xf32> to vector<2000x64xf32>
    %get3A_4 = arith.constant 0 : index
    %get3A_5 = arith.constant 0 : index
    %get3A_6 = arith.constant 0 : index
    %get3A_7 = vector.load %arg3[%get3A_4, %get3A_5, %get3A_6] : memref<1x2000x64xf32, #tpu.memory_space<vmem>>, vector<1x2000x64xf32>
    %get3A_8 = vector.shape_cast %get3A_7 : vector<1x2000x64xf32> to vector<2000x64xf32>
    %concatenate3A = tpu.concatenate %get3A_3, %get3A_8 in 1 : vector<2000x64xf32>, vector<2000x64xf32> -> vector<2000x128xf32>
    %get3A_9 = arith.constant 0 : index
    %get3A_10 = arith.constant 0 : index
    %get3A_11 = arith.constant 0 : index
    %get3A_12 = vector.load %arg4[%get3A_9, %get3A_10, %get3A_11] : memref<1x2000x64xf32, #tpu.memory_space<vmem>>, vector<1x2000x64xf32>
    %get3A_13 = vector.shape_cast %get3A_12 : vector<1x2000x64xf32> to vector<2000x64xf32>
    %get3A_14 = arith.constant 0 : index
    %get3A_15 = arith.constant 0 : index
    %get3A_16 = arith.constant 0 : index
    %get3A_17 = vector.load %arg5[%get3A_14, %get3A_15, %get3A_16] : memref<1x2000x64xf32, #tpu.memory_space<vmem>>, vector<1x2000x64xf32>
    %get3A_18 = vector.shape_cast %get3A_17 : vector<1x2000x64xf32> to vector<2000x64xf32>
    %concatenate3A_19 = tpu.concatenate %get3A_13, %get3A_18 in 1 : vector<2000x64xf32>, vector<2000x64xf32> -> vector<2000x128xf32>
    %add3A = arith.addf %concatenate3A, %concatenate3A_19 : vector<2000x128xf32>
    %get3A_20 = arith.constant 0 : index
    %get3A_21 = arith.constant 0 : index
    %get3A_22 = vector.load %arg6[%get3A_20, %get3A_21] : memref<128x128xf32, #tpu.memory_space<vmem>>, vector<128x128xf32>
    %dot_general3A = arith.constant dense<0.000000e+00> : vector<2000x128xf32>
    %dot_general3A_23 = tpu.matmul %add3A, %get3A_22, %dot_general3A {dimension_numbers = #tpu.dot_dimension_numbers<[1], [0], [0], [1], [0, 0, 1, 1], [], []>, transpose_lhs_hint = false} : vector<2000x128xf32>, vector<128x128xf32>, vector<2000x128xf32> -> vector<2000x128xf32>
    %get3A_24 = arith.constant 0 : index
    %get3A_25 = arith.constant 0 : index
    %get3A_26 = vector.load %arg7[%get3A_24, %get3A_25] : memref<1x128xf32, #tpu.memory_space<vmem>>, vector<1x128xf32>
    %add3A_27 = vector.broadcast %get3A_26 : vector<1x128xf32> to vector<2000x128xf32>
    %add3A_28 = arith.addf %dot_general3A_23, %add3A_27 : vector<2000x128xf32>
    %max3A = arith.constant 0.000000e+00 : f32
    %max3A_29 = vector.broadcast %max3A : f32 to vector<2000x128xf32>
    %max3A_30 = arith.maximumf %add3A_28, %max3A_29 : vector<2000x128xf32>
    %get3A_31 = arith.constant 0 : index
    %get3A_32 = arith.constant 0 : index
    %get3A_33 = vector.load %arg8[%get3A_31, %get3A_32] : memref<128x128xf32, #tpu.memory_space<vmem>>, vector<128x128xf32>
    %dot_general3A_34 = arith.constant dense<0.000000e+00> : vector<2000x128xf32>
    %dot_general3A_35 = tpu.matmul %max3A_30, %get3A_33, %dot_general3A_34 {dimension_numbers = #tpu.dot_dimension_numbers<[1], [0], [0], [1], [0, 0, 1, 1], [], []>, transpose_lhs_hint = false} : vector<2000x128xf32>, vector<128x128xf32>, vector<2000x128xf32> -> vector<2000x128xf32>
    %get3A_36 = arith.constant 0 : index
    %get3A_37 = arith.constant 0 : index
    %get3A_38 = vector.load %arg9[%get3A_36, %get3A_37] : memref<1x128xf32, #tpu.memory_space<vmem>>, vector<1x128xf32>
    %add3A_39 = vector.broadcast %get3A_38 : vector<1x128xf32> to vector<2000x128xf32>
    %add3A_40 = arith.addf %dot_general3A_35, %add3A_39 : vector<2000x128xf32>
    %max3A_41 = arith.constant 0.000000e+00 : f32
    %max3A_42 = vector.broadcast %max3A_41 : f32 to vector<2000x128xf32>
    %max3A_43 = arith.maximumf %add3A_40, %max3A_42 : vector<2000x128xf32>
    %get3A_44 = arith.constant 0 : index
    %get3A_45 = arith.constant 0 : index
    %get3A_46 = vector.load %arg1[%get3A_44, %get3A_45] : memref<2000x128xf32, #tpu.memory_space<vmem>>, vector<2000x128xf32>
    %swap3A = arith.constant 0 : index
    %swap3A_47 = arith.constant 0 : index
    %swap3A_48 = vector.load %arg10[%swap3A, %swap3A_47] : memref<2000x384xf32, #tpu.memory_space<vmem>>, vector<2000x128xf32>
    tpu.vector_store %arg10[%swap3A, %swap3A_47], %get3A_46 {strides = array<i32>} : memref<2000x384xf32, #tpu.memory_space<vmem>>, vector<2000x128xf32>,
    %swap3A_49 = arith.constant 0 : index
    %swap3A_50 = arith.constant 128 : index
    %swap3A_51 = vector.load %arg10[%swap3A_49, %swap3A_50] : memref<2000x384xf32, #tpu.memory_space<vmem>>, vector<2000x128xf32>
    tpu.vector_store %arg10[%swap3A_49, %swap3A_50], %concatenate3A {strides = array<i32>} : memref<2000x384xf32, #tpu.memory_space<vmem>>, vector<2000x128xf32>,
    %swap3A_52 = arith.constant 0 : index
    %swap3A_53 = arith.constant 256 : index
    %swap3A_54 = vector.load %arg10[%swap3A_52, %swap3A_53] : memref<2000x384xf32, #tpu.memory_space<vmem>>, vector<2000x128xf32>
    tpu.vector_store %arg10[%swap3A_52, %swap3A_53], %max3A_43 {strides = array<i32>} : memref<2000x384xf32, #tpu.memory_space<vmem>>, vector<2000x128xf32>,
    return
  }
  func.func @transform_0(%arg0: i32) -> (i32, i32) {
    %c0_i32 = arith.constant 0 : i32
    %c0_i32_0 = arith.constant 0 : i32
    return %arg0, %c0_i32 : i32, i32
  }
  func.func @transform_1(%arg0: i32) -> (i32, i32, i32) {
    %c0_i32 = arith.constant 0 : i32
    %c0_i32_0 = arith.constant 0 : i32
    %c0_i32_1 = arith.constant 0 : i32
    return %c0_i32, %arg0, %c0_i32_0 : i32, i32, i32
  }
  func.func @transform_2(%arg0: i32) -> (i32, i32, i32) {
    %c1_i32 = arith.constant 1 : i32
    %c0_i32 = arith.constant 0 : i32
    %c0_i32_0 = arith.constant 0 : i32
    return %c1_i32, %arg0, %c0_i32 : i32, i32, i32
  }
  func.func @transform_3(%arg0: i32) -> (i32, i32, i32) {
    %c0_i32 = arith.constant 0 : i32
    %c0_i32_0 = arith.constant 0 : i32
    %c0_i32_1 = arith.constant 0 : i32
    return %c0_i32, %arg0, %c0_i32_0 : i32, i32, i32
  }
  func.func @transform_4(%arg0: i32) -> (i32, i32, i32) {
    %c1_i32 = arith.constant 1 : i32
    %c0_i32 = arith.constant 0 : i32
    %c0_i32_0 = arith.constant 0 : i32
    return %c1_i32, %arg0, %c0_i32 : i32, i32, i32
  }
  func.func @transform_5(%arg0: i32) -> (i32, i32) {
    %c0_i32 = arith.constant 0 : i32
    %c0_i32_0 = arith.constant 0 : i32
    %c0_i32_1 = arith.constant 0 : i32
    return %c0_i32, %c0_i32_0 : i32, i32
  }
  func.func @transform_6(%arg0: i32) -> (i32, i32) {
    %c0_i32 = arith.constant 0 : i32
    %c0_i32_0 = arith.constant 0 : i32
    %c0_i32_1 = arith.constant 0 : i32
    return %c0_i32, %c0_i32_0 : i32, i32
  }
  func.func @transform_7(%arg0: i32) -> (i32, i32) {
    %c0_i32 = arith.constant 0 : i32
    %c0_i32_0 = arith.constant 0 : i32
    %c0_i32_1 = arith.constant 0 : i32
    return %c0_i32, %c0_i32_0 : i32, i32
  }
  func.func @transform_8(%arg0: i32) -> (i32, i32) {
    %c0_i32 = arith.constant 0 : i32
    %c0_i32_0 = arith.constant 0 : i32
    %c0_i32_1 = arith.constant 0 : i32
    return %c0_i32, %c0_i32_0 : i32, i32
  }
  func.func @transform_9(%arg0: i32) -> (i32, i32) {
    %c0_i32 = arith.constant 0 : i32
    %c0_i32_0 = arith.constant 0 : i32
    return %arg0, %c0_i32 : i32, i32
  }
}

</mosaic_0001>

<sc_bundles>
// kernel: kernel.6.cloned.1.call-start
scs
__scs_entry_jumppad:
0x0: {  	(pc) =	sbr.rel $0x88, $3  }
0x1: {  	(tag) =	ssettag $0x0;
	lr =	simm.s32 $0x1  }
0x2: {  	[smem:$0x3F97] =	sst lr;
	_ =	strace $0xD0000000  }
0x3: {  	_ = 	snop  }
0x4: {  	_ = 	snop  }
0x5: {  	_ = 	snop  }
0x6: {  	_ = 	snop  }
0x7: {  	_ = 	snop  }
__scs_overlays_trampoline_lowered:
0x8: {  	[smem:$0x3FA6] =	sst s0  }
0x9: {  	[smem:$0x3FA7] =	sst s1  }
0xa: {  	[smem:$0x3FA8] =	sst s2  }
0xb: {  	[smem:$0x3FA9] =	sst s3  }
0xc: {  	[smem:$0x3FAA] =	sst s4  }
0xd: {  	[smem:$0x3FAB] =	sst s5  }
0xe: {  	[smem:$0x3FAC] =	sst s6  }
0xf: {  	[smem:$0x3FAD] =	sst s7  }
0x10: {  	[smem:$0x3FAE] =	sst s8  }
0x11: {  	[smem:$0x3FAF] =	sst s9;
	s0 =	simm.s32 @!p0 $0x0  }
0x12: {  	s1 =	sld [smem:$0x3F95];
	s0 =	simm.s32 @p0 $0x1  }
0x13: {  	[smem:$0x3FB0] =	sst s0;
	s0 =	simm.s32 @!p1 $0x0  }
0x14: {  	s2 =	sld [smem:$0x3F94];
	s0 =	simm.s32 @p1 $0x1  }
0x15: {  	[smem:$0x3FB1] =	sst s0;
	s0 =	simm.s32 @!p2 $0x0  }
0x16: {  	s3 =	sld [smem:$0x3FDB];
	s0 =	simm.s32 @p2 $0x1  }
0x17: {  	s4 =	simm.s32 $0x1BF5;
	[smem:$0x3FB3] =	sst s0  }
0x18: {  	s0 =	sld [smem:$0x3F96];
	_ =	swait.ge [sflag:s4], $0x0  }
0x19: {  	s7 =	sld [smem:$0x3F97]  }
0x1a: {  	s8 =	sadd.s32 $0xFFFFE003, lr  }
0x1b: {  	s9 =	sadd.s32 $0xFFFFFEF7, lr;
	s5 =	simm.s32 $0xFFFFFFFF;
	p2 =	slt.u32 s8, $0xFFFFF086  }
0x1c: {  	p1 =	slt.u32 s9, $0xF7A;
	s5 =	simm.s32 @!p2 $0x0  }
0x1d: {  	s5 =	simm.s32 @p1 $0x1;
	p0 =	seq.s32 s7, s2  }
0x1e: {  	s7 =	smul.u32 @!p0 $0xF7A, s2;
	p2 =	seq.s32 @!p0 s5, $0x0  }
0x1f: {  	s9 =	smul.u32 $0xF7A, s1;
	s8 =	simm.s32 @!p0 $0x1BF5;
	p2 =	por !p2, p0  }
0x20: {  	[sflag:s8] =	ssyncset.s32 @!p0 $0xFFFFF086;
	s6 =	sadd.s32 @!p0 s3, s7;
	s7 =	simm.s32 @!p0 $0x108  }
0x21: {  	s3 =	sadd.s32 s3, s9;
	s6 =	sadd.s32 @!p0 $0x88, s6;
	s7 =	simm.s32 @p2 $0x1082  }
0x22: {  	[simem:s7], [sflag:s8] =	dma.local @!p0 [hbm:s6], $0xF7A  }
0x23: {  	s9 =	sor.u32 $0xD0000000, s2;
	s6 =	simm.s32 $0x108;
	_ =	swait.ge @!p0 [sflag:s8], $0x0  }
0x24: {  	s3 =	sadd.s32 $0x88, s3;
	s6 =	simm.s32 @!p1 $0x1082;
	[sflag:s4] =	ssyncset.s32 $0xFFFFF086  }
0x25: {  	[simem:s6], [sflag:s4] =	dma.local [hbm:s3], $0xF7A  }
0x26: {  	[smem:$0x3F97] =	sst s1;
	(tag) =	ssettag s2;
	_ =	strace s9  }
0x27: {  	s1 =	sld [smem:$0x3FA7]  }
0x28: {  	s2 =	sld [smem:$0x3FA8]  }
0x29: {  	s4 =	sld [smem:$0x3FAA]  }
0x2a: {  	p0 =	seq.s32 s5, $0x0;
	s5 =	sld [smem:$0x3FAB]  }
0x2b: {  	s6 =	sld [smem:$0x3FAC]  }
0x2c: {  	s7 =	sld [smem:$0x3FAD]  }
0x2d: {  	s3 =	simm.s32 $0x108;
	s8 =	sld [smem:$0x3FAE]  }
0x2e: {  	s3 =	simm.s32 @!p0 $0x1082;
	s9 =	sld [smem:$0x3FAF]  }
0x2f: {  	lr =	sadd.s32 s0, s3;
	s0 =	sld [smem:$0x3FA6]  }
0x30: {  	s3 =	sld [smem:$0x3FA9]  }
0x31: {  	[smem:$0x3FB2] =	sst s10  }
0x32: {  	s10 =	sld [smem:$0x3FB0];
	_ =	sdelay $0x3  }
0x33: {  	p0 =	seq.s32 s10, $0x1;
	s10 =	sld [smem:$0x3FB2];
	_ =	sdelay $0x3  }
0x34: {  	[smem:$0x3FB2] =	sst s10  }
0x35: {  	s10 =	sld [smem:$0x3FB1];
	_ =	sdelay $0x3  }
0x36: {  	p1 =	seq.s32 s10, $0x1;
	s10 =	sld [smem:$0x3FB2];
	_ =	sdelay $0x3  }
0x37: {  	[smem:$0x3FB2] =	sst s10  }
0x38: {  	s10 =	sld [smem:$0x3FB3]  }
0x39: {  	_ = 	snop;
	(pc) =	sbr.ind lr, $3  }
0x3a: {  	_ = 	snop  }
0x3b: {  	_ = 	snop  }
0x3c: {  	p2 =	seq.s32 s10, $0x1;
	s10 =	sld [smem:$0x3FB2]  }
0x3d: {  	_ =	shalt  }
0x3e: {  	_ =	shalt  }
0x3f: {  	_ =	shalt  }
0x40: {  	_ =	shalt  }
0x41: {  	_ =	shalt  }
0x42: {  	_ =	shalt  }
0x43: {  	_ =	shalt  }
0x44: {  	_ =	shalt  }
0x45: {  	_ =	shalt  }
0x46: {  	_ =	shalt  }
0x47: {  	_ =	shalt  }
0x48: {  	_ =	shalt  }
0x49: {  	_ =	shalt  }
0x4a: {  	_ =	shalt  }
0x4b: {  	_ =	shalt  }
0x4c: {  	_ =	shalt  }
0x4d: {  	_ =	shalt  }
0x4e: {  	_ =	shalt  }
0x4f: {  	_ =	shalt  }
0x50: {  	_ =	shalt  }
0x51: {  	_ =	shalt  }
0x52: {  	_ =	shalt  }
0x53: {  	_ =	shalt  }
0x54: {  	_ =	shalt  }
0x55: {  	_ =	shalt  }
0x56: {  	_ =	shalt  }
0x57: {  	_ =	shalt  }
0x58: {  	_ =	shalt  }
0x59: {  	_ =	shalt  }
0x5a: {  	_ =	shalt  }
0x5b: {  	_ =	shalt  }
0x5c: {  	_ =	shalt  }
0x5d: {  	_ =	shalt  }
0x5e: {  	_ =	shalt  }
0x5f: {  	_ =	shalt  }
0x60: {  	_ =	shalt  }
0x61: {  	_ =	shalt  }
0x62: {  	_ =	shalt  }
0x63: {  	_ =	shalt  }
0x64: {  	_ =	shalt  }
0x65: {  	_ =	shalt  }
0x66: {  	_ =	shalt  }
0x67: {  	_ =	shalt  }
0x68: {  	_ =	shalt  }
0x69: {  	_ =	shalt  }
0x6a: {  	_ =	shalt  }
0x6b: {  	_ =	shalt  }
0x6c: {  	_ =	shalt  }
0x6d: {  	_ =	shalt  }
0x6e: {  	_ =	shalt  }
0x6f: {  	_ =	shalt  }
0x70: {  	_ =	shalt  }
0x71: {  	_ =	shalt  }
0x72: {  	_ =	shalt  }
0x73: {  	_ =	shalt  }
0x74: {  	_ =	shalt  }
0x75: {  	_ =	shalt  }
0x76: {  	_ =	shalt  }
0x77: {  	_ =	shalt  }
0x78: {  	_ =	shalt  }
0x79: {  	_ =	shalt  }
0x7a: {  	_ =	shalt  }
0x7b: {  	_ =	shalt  }
0x7c: {  	_ =	shalt  }
0x7d: {  	_ =	shalt  }
0x7e: {  	_ =	shalt  }
0x7f: {  	_ =	shalt  }
0x80: {  	_ =	shalt  }
0x81: {  	_ =	shalt  }
0x82: {  	_ =	shalt  }
0x83: {  	_ =	shalt  }
0x84: {  	_ =	shalt  }
0x85: {  	_ =	shalt  }
0x86: {  	_ =	shalt  }
0x87: {  	_ =	shalt  }
.Lfunc_end0:
.L_simem_size_0:
called_computation_lowered:
.L_overlay_start_0:
0x88: {  	s2 =	sld [smem:$0x3FD9]  }
0x89: {  	s3 =	sld [smem:$0x3FFE];
	_ =	sdelay $0x1  }
0x8a: {  	s1 =	srdreg.scid  }
0x8b: {  	s0 =	sand.u32 $0x1, s1  }
0x8c: {  	s17 =	sshll.u32 s0, $0xA;
	s2 =	sadd.s32 s3, s2  }
0x8d: {  	s2 =	sadd.s32 s2, s17  }
0x8e: {  	[smem:$0x3FBE] =	sst s2  }
0x8f: {  	_ = 	snop  }
0x90: {  	s2 =	sld [smem:$0x3FD0];
	(tm) =	ssettm $0x1  }
0x91: {  	s18 =	sld [smem:$0x3FFB];
	_ =	sdelay $0x3  }
0x92: {  	_ =	strace s18  }
0x93: {  	s3 =	sld [smem:$0x3FFC];
	_ =	sdelay $0x3  }
0x94: {  	_ =	strace s3  }
0x95: {  	s3 =	sld [smem:$0x3FFD];
	_ =	sdelay $0x3  }
0x96: {  	_ =	strace s3  }
0x97: {  	_ =	strace $0x8FFFFFFF  }
0x98: {  	s19 =	sld [smem:$0x3FDB];
	_ =	sdelay $0x1  }
0x99: {  	s4 =	simm.s32 $_scs_section_size  }
0x9a: {  	s5 =	simm.s32 $_size__tile_overlayer_lowered;
	s6 =	simm.s32 $_tile_overlayer_lowered  }
0x9b: {  	s22 =	simm.s32 $0x1BFF;
	s21 =	sshll.u32 s6, $0x1;
	s3 =	sadd.s32 s4, s19  }
0x9c: {  	s7 =	simm.s32 $0x0;
	s20 =	sshll.u32 s5, $0x1;
	s5 =	sadd.s32 s21, s3  }
0x9d: {  	[timem:s7], [sflag:s22] =	dma.local [hbm:s5], s20  }
0x9e: {  	_ =	swait.ge [sflag:s22], s20  }
0x9f: {  	s4 =	ssub.s32 $0x0, s20;
	[sflag:s22] =	ssyncset.done $0x0  }
0xa0: {  	[sflag:s22] =	ssyncadd.s32 s4;
	_ =	sdelay $0x1  }
0xa1: {  	s23 =	simm.s32 $0x1B8B  }
0xa2: {  	_ =	swait.ge [sflag:s23], $0x1  }
0xa3: {  	[sflag:s23] =	ssyncset.done $0x0  }
0xa4: {  	s25 =	simm.s32 $0x1B8E;
	s24 =	sld [smem:$0x3FFE];
	[sflag:s23] =	ssyncadd.s32 $0xFFFFFFFF  }
0xa5: {  	s26 =	simm.s32 $execute0_lowered;
	[smem:$0x3FD2] =	sst s25  }
0xa6: {  	s5 =	sshll.u32 s26, $0x1;
	_ =	strace $0x80000046;
	[dreg:$0x1] =	wrdreg $0xFFFFFFFF  }
0xa7: {  	s28 =	simm.s32 $_size_execute0_lowered;
	s3 =	sadd.s32 s3, s5;
	[dreg:$0x0] =	wrdreg $0x0  }
0xa8: {  	s5 =	sshll.u32 s28, $0x1;
	[dreg:$0x2] =	wrdreg s3  }
0xa9: {  	[dreg:$0x3] =	wrdreg s5  }
0xaa: {  	[dreg:$0x4] =	wrdreg $0xC0  }
0xab: {  	_ =	task [dreg:s7], $0x5FFFF  }
0xac: {  	[dreg:$0x1] =	wrdreg $0xFFFFFFFF  }
0xad: {  	[dreg:$0x0] =	wrdreg $0x60  }
0xae: {  	[dreg:$0x2] =	wrdreg s24  }
0xaf: {  	[dreg:$0x3] =	wrdreg s2  }
0xb0: {  	[dreg:$0x4] =	wrdreg $0x0  }
0xb1: {  	[dreg:$0x5] =	wrdreg $0x9C400  }
0xb2: {  	[dreg:$0x6] =	wrdreg $0x9  }
0xb3: {  	_ =	task.clear_ibuf [dreg:s7], $0x7FFFF;
	_ =	strace $0x90000046  }
0xb4: {  	s29 =	simm.s32 $0x9;
	_ =	strace $0x80000048  }
0xb5: {  	_ =	swait.ge [sflag:s29], $0x1  }
0xb6: {  	[sflag:s29] =	ssyncadd.s32 $0xFFFFFFFF  }
0xb7: {  	_ =	strace $0x90000048  }
0xb8: {  	_ =	sfence  }
0xb9: {  	s30 =	sld [smem:$0x0];
	_ =	sdelay $0x2  }
0xba: {  	s31 =	sshll.u32 s1, $0xD;
	s1 =	sshrl.u32 s1, $0x2  }
0xbb: {  	s3 =	sand.u32 $0x4000, s31;
	s1 =	sadd.s32 s1, s30  }
0xbc: {  	s0 =	sor.u32 s3, s0;
	s1 =	sshll.u32 s1, $0x11  }
0xbd: {  	s0 =	sor.u32 s1, s0  }
0xbe: {  	s0 =	sadd.s32 $0x8F2B, s0  }
0xbf: {  	[sflag:s0] =	ssyncadd.remote.s32 $0x1  }
0xc0: {  	_ =	sfence.sel $0xFFFF  }
0xc1: {  	[dreg:$0x0] =	wrdreg $0xFFFFFFFF;
	(pc) =	sbr.abs _section_cstart, $3  }
0xc2: {  	[dreg:$0x1] =	wrdreg $0xFFFFFFFF  }
0xc3: {  	_ =	task.clear_ibuf [dreg:s7], $0x2FFFF;
	_ =	strace $0x9FFFFFFF  }
0xc4: {  	(tm) =	ssettm $0x7FFFFFFF  }
0xc5: {  	_ =	shalt  }
tec
execute0_lowered:
.L_overlay_start_1:
0x0: {  	(tag) =	ssettag $0x1  }
0x1: {  	s0 =	rddreg [dreg:$0x0]  }
0x2: {  	s5 =	rddreg [dreg:$0x1]  }
0x3: {  	s1 =	rddreg [dreg:$0x2]  }
0x4: {  	s2 =	rddreg [dreg:$0x3];
	s6 =	stileid.u32;
	s3 =	simm.s32 $0x0  }
0x5: {  	s7 =	srdreg.scid;
	s28 =	simm.s32 $0x13A40;
	s4 =	smul.u32 $0x5000, s6  }
0x6: {  	s29 =	simm.s32 $0x80;
	s30 =	simm.s32 $0x16340;
	s25 =	smul.u32 $0x4E000, s6  }
0x7: {  	s31 =	simm.s32 $0x16240;
	[smem:$0x7FF] =	sst s3;
	s13 =	smul.u32 $0x13800, s6  }
0x8: {  	s10 =	sand.u32 $0x1, s7;
	s9 =	sadd.s32 $0x15800, s0;
	s15 =	smul.u32 $0x4F000, s6  }
0x9: {  	s14 =	sadd.s32 $0x63A00, s0;
	s16 =	sshll.u32 s6, $0x6;
	s19 =	smul.u32 $0x13C00, s6  }
0xa: {  	p0 =	sne.s32 s6, $0x0;
	_ =	strace $0x80000047;
	s8 =	smul.u32 $0x138800, s10  }
0xb: {  	s12 =	ssub.s32 $0x2, s10;
	[dreg:$0x5] =	wrdreg s14;
	s10 =	smul.u32 $0x13C000, s10  }
0xc: {  	s4 =	sshrl.u32 s4, $0x3;
	s26 =	sshrl.u32 s12, $0x1;
	s7 =	sshrl.u32 s25, $0x2  }
0xd: {  	s15 =	sshrl.u32 s15, $0x2;
	s11 =	sadd.s32 s4, s0;
	s4 =	sadd.s32 $0x1800, s0  }
0xe: {  	s12 =	ssub.s32 s12, s26;
	s13 =	sadd.s32 s13, s8;
	s14 =	sadd.s32 s7, s1  }
0xf: {  	s10 =	sadd.s32 s19, s10;
	s13 =	sshrl.u32 s13, $0x3;
	s23 =	sadd.s32 $0xB800, s11  }
0x10: {  	s11 =	sadd.s32 $0xBD00, s11;
	s10 =	sshrl.u32 s10, $0x3;
	s25 =	smax.u32 s12, $0x1  }
0x11: {  	s12 =	simm.s32 $0x161C0;
	s7 =	sadd.s32 s9, s13;
	[dreg:$0xc] =	wrdreg s23  }
0x12: {  	s13 =	sadd.s32 $0x138000, s1;
	[dreg:$0xd] =	wrdreg s11;
	s5 =	sadd.s32 s5, s10  }
0x13: {  	[dreg:$0x6] =	wrdreg s7;
	s7 =	sor.u32 $0x1C05, s16;
	s16 =	sshrl.u32 s8, $0x3  }
0x14: {  	[dreg:$0x10] =	wrdreg s25;
	s23 =	sshrl.u32 s14, $0x3;
	s16 =	sadd.s32 s9, s16  }
0x15: {  	[dreg:$0xf] =	wrdreg s5;
	s9 =	sadd.s32 s15, s2;
	s17 =	sadd.s32 $0x27000, s16  }
0x16: {  	s10 =	simm.s32 $0x2;
	s18 =	sadd.s32 $0x4000, s9;
	[dreg:$0x7] =	wrdreg s17  }
0x17: {  	s8 =	smul.u32 $0xA00, s6;
	s20 =	sadd.s32 $0x8000, s9;
	[dreg:$0x8] =	wrdreg s18  }
0x18: {  	s11 =	simm.s32 $0x4;
	s21 =	sadd.s32 $0xC000, s9;
	[dreg:$0x9] =	wrdreg s20  }
0x19: {  	s22 =	sadd.s32 $0x10000, s9;
	s16 =	sadd.s32 s4, s8;
	[dreg:$0xa] =	wrdreg s21  }
0x1a: {  	s0 =	sadd.s32 s8, s0;
	[dreg:$0xb] =	wrdreg s22;
	s24 =	sadd.s32 $0x500, s16  }
0x1b: {  	s25 =	sshrl.u32 @!p0 s13, $0x3;
	s26 =	sadd.s32 $0x1CF0, s0;
	[dreg:$0xe] =	wrdreg s24  }
0x1c: {  	s5 =	simm.s32 $0x1;
	s0 =	sadd.s32 $0x21F0, s0;
	[dreg:$0x11] =	wrdreg s26  }
0x1d: {  	s6 =	simm.s32 $0x3;
	s13 =	simm.s32 $0x0;
	[dreg:$0x12] =	wrdreg s0  }
0x1e: {  	s24 =	simm.s32 $0x5;
	s26 =	simm.s32 $0x1A340;
	s0 =	simm.s32 $0x162C0  }
.LBB2_1:
0x1f: {  	s14 =	rddreg [dreg:$0x6]  }
0x20: {  	[spmem:s23], [sflag:s7] =	dma.local [hbm:s14], $0x2700  }
0x21: {  	_ =	swait.ge [sflag:s24], $0x2700  }
0x22: {  	[sflag:s24] =	ssyncset.done $0x0  }
0x23: {  	s14 =	rddreg [dreg:$0x7];
	[sflag:s24] =	ssyncadd.s32 $0xFFFFD900  }
0x24: {  	[spmem:s25], [sflag:s7] =	dma.local @!p0 [hbm:s14], $0x100  }
0x25: {  	s14 =	simm.s32 @!p0 $0x5  }
0x26: {  	_ =	swait.ge @!p0 [sflag:s14], $0x100  }
0x27: {  	[sflag:s14] =	ssyncset.done @!p0 $0x0  }
0x28: {  	s20 =	rddreg [dreg:$0x5];
	[sflag:s14] =	ssyncadd.s32 @!p0 $0xFFFFFF00  }
0x29: {  	[tilespmem:s26], [sflag:$0x5] =	stream.linear.gather [hbm4b:s20+s3], $0x4000, $0x38;
	[tilespmem:$0x1E340] =	vst v63  }
0x2a: {  	_ =	swait.ge [sflag:s24], $0x4000  }
0x2b: {  	[sflag:s24] =	ssyncset.done $0x0  }
0x2c: {  	[sflag:s24] =	ssyncadd.s32 $0xFFFFC000  }
0x2d: {  	[spmem:s9] =	stream.linear.scatter [tilespmem:s26], [sflag:$0x5], $0x4000, $0x38;
	[tilespmem:$0x1E340] =	vst v63  }
0x2e: {  	_ =	swait.ge [sflag:s24], $0x4000  }
0x2f: {  	[sflag:s24] =	ssyncset.done $0x0  }
0x30: {  	s21 =	rddreg [dreg:$0x8];
	[sflag:s24] =	ssyncadd.s32 $0xFFFFC000  }
0x31: {  	[spmem:s21] =	stream.linear.scatter [tilespmem:s26], [sflag:$0x5], $0x4000, $0x38;
	[tilespmem:$0x1E340] =	vst v63  }
0x32: {  	_ =	swait.ge [sflag:s24], $0x4000  }
0x33: {  	[sflag:s24] =	ssyncset.done $0x0  }
0x34: {  	s22 =	rddreg [dreg:$0x9];
	[sflag:s24] =	ssyncadd.s32 $0xFFFFC000  }
0x35: {  	[spmem:s22] =	stream.linear.scatter [tilespmem:s26], [sflag:$0x5], $0x4000, $0x38;
	[tilespmem:$0x1E340] =	vst v63  }
0x36: {  	_ =	swait.ge [sflag:s24], $0x4000  }
0x37: {  	[sflag:s24] =	ssyncset.done $0x0  }
0x38: {  	s15 =	rddreg [dreg:$0xa];
	[sflag:s24] =	ssyncadd.s32 $0xFFFFC000  }
0x39: {  	[spmem:s15] =	stream.linear.scatter [tilespmem:s26], [sflag:$0x5], $0x4000, $0x38;
	[tilespmem:$0x1E340] =	vst v63  }
0x3a: {  	_ =	swait.ge [sflag:s24], $0x4000  }
0x3b: {  	[sflag:s24] =	ssyncset.done $0x0  }
0x3c: {  	s17 =	rddreg [dreg:$0xb];
	[sflag:s24] =	ssyncadd.s32 $0xFFFFC000  }
0x3d: {  	[spmem:s17] =	stream.linear.scatter [tilespmem:s26], [sflag:$0x5], $0x3C00, $0x38;
	[tilespmem:$0x1E340] =	vst v63  }
0x3e: {  	_ =	swait.ge [sflag:s24], $0x3C00  }
0x3f: {  	[sflag:s24] =	ssyncset.done $0x0  }
0x40: {  	[sflag:s24] =	ssyncadd.s32 $0xFFFFC400  }
0x41: {  	[bflag:$0x0] =	sbarrier.arrive $0xFFFF  }
0x42: {  	s18 =	rddreg [dreg:$0xc]  }
0x43: {  	[tilespmem:s28], [sflag:$0x5] =	stream.linear.gather [hbm4b:s18+s3], $0x2800, $0x38;
	[tilespmem:$0x1E340] =	vst v63  }
0x44: {  	_ =	swait.ge [sflag:s24], $0x2800  }
0x45: {  	[sflag:s24] =	ssyncset.done $0x0  }
0x46: {  	s19 =	simm.s32 $0x10;
	[sflag:s24] =	ssyncadd.s32 $0xFFFFD800  }
0x47: {  	[tilespmem:s30], [sflag:$0x1] =	stream.indirect.gather [spmem:s1], $0x40, s28, s29, $0xb8;
	[tilespmem:$0x1E340] =	vst v63  }
0x48: {  	s14 =	sand.u32 $0x70, s19;
	s15 =	sadd.s32 $0x0, s8  }
0x49: {  	[tilespmem:s31], [sflag:$0x3] =	stream.linear.gather [hbm4b:s16+s3], $0x80, $0x38;
	[tilespmem:$0x1E340] =	vst v63  }
0x4a: {  	s14 =	sadd.s32 s4, s14;
	s17 =	simm.s32 $0x13AC0;
	s18 =	sand.u32 $0x1FF80, s15  }
0x4b: {  	[tilespmem:s26], [sflag:$0x2] =	stream.indirect.gather [spmem:s1], $0x40, s17, s29, $0xb8;
	[tilespmem:$0x1E340] =	vst v63  }
0x4c: {  	s14 =	sadd.s32 s18, s14  }
0x4d: {  	[tilespmem:s0], [sflag:$0x4] =	stream.linear.gather [hbm4b:s14+s3], $0x80, $0x38;
	[tilespmem:$0x1E340] =	vst v63  }
0x4e: {  	_ =	swait.ge [sflag:s5], $0x2000  }
0x4f: {  	[sflag:s5] =	ssyncset.done $0x0  }
0x50: {  	[sflag:s5] =	ssyncadd.s32 $0xFFFFE000  }
0x51: {  	_ =	swait.ge [sflag:s6], $0x80  }
0x52: {  	[sflag:s6] =	ssyncset.done $0x0  }
0x53: {  	[sflag:s6] =	ssyncadd.s32 $0xFFFFFF80  }
0x54: {  	[spmem:s2] =	stream.indirect.scatter.add.f32 [tilespmem:s30], [sflag:$0x5], $0x40, s31, s29, $0xb8;
	[tilespmem:$0x1E340] =	vst v63  }
0x55: {  	s21 =	simm.s32 $0x13B40;
	s17 =	simm.s32 $0x20;
	_ =	swait.ge [sflag:s24], $0x2000  }
0x56: {  	s20 =	sadd.s32 $0x20, s15;
	s22 =	sand.u32 $0x60, s17;
	[sflag:s24] =	ssyncset.done $0x0  }
0x57: {  	s14 =	sand.u32 $0x1FF80, s20;
	s18 =	sadd.s32 s4, s22;
	[sflag:s24] =	ssyncadd.s32 $0xFFFFE000  }
0x58: {  	[tilespmem:s30], [sflag:$0x1] =	stream.indirect.gather [spmem:s1], $0x40, s21, s29, $0xb8;
	[tilespmem:$0x1E340] =	vst v63  }
0x59: {  	s14 =	sadd.s32 s14, s18  }
0x5a: {  	[tilespmem:s31], [sflag:$0x3] =	stream.linear.gather [hbm4b:s14+s3], $0x80, $0x38;
	[tilespmem:$0x1E340] =	vst v63  }
0x5b: {  	_ =	swait.ge [sflag:s10], $0x2000  }
0x5c: {  	[sflag:s10] =	ssyncset.done $0x0  }
0x5d: {  	[sflag:s10] =	ssyncadd.s32 $0xFFFFE000  }
0x5e: {  	_ =	swait.ge [sflag:s11], $0x80  }
0x5f: {  	s19 =	simm.s32 $0x30;
	s15 =	simm.s32 $0x40;
	[sflag:s11] =	ssyncset.done $0x0  }
0x60: {  	s18 =	simm.s32 $0x40;
	s14 =	simm.s32 $0x13BC0;
	[sflag:s11] =	ssyncadd.s32 $0xFFFFFF80  }
0x61: {  	[spmem:s2] =	stream.indirect.scatter.add.f32 [tilespmem:s26], [sflag:$0x5], $0x40, s0, s29, $0xb8;
	[tilespmem:$0x1E340] =	vst v63  }
.LBB2_2:
0x62: {  	s17 =	sadd.s32 s17, s8;
	s19 =	sand.u32 $0x70, s19;
	_ =	swait.ge [sflag:s24], $0x2000  }
0x63: {  	s20 =	sand.u32 $0x1FF80, s17;
	s19 =	sadd.s32 s4, s19;
	[sflag:s24] =	ssyncset.done $0x0  }
0x64: {  	s19 =	sadd.s32 s20, s19;
	s20 =	sadd.s32 $0x20, s17;
	[sflag:s24] =	ssyncadd.s32 $0xFFFFE000  }
0x65: {  	[tilespmem:s26], [sflag:$0x2] =	stream.indirect.gather [spmem:s1], $0x40, s14, s29, $0xb8;
	[tilespmem:$0x1E340] =	vst v63  }
0x66: {  	p1 =	sne.s32 s18, $0x4C0;
	s17 =	smov.u32 s18;
	s18 =	sadd.s32 $0x20, s18  }
0x67: {  	[tilespmem:s0], [sflag:$0x4] =	stream.linear.gather [hbm4b:s19+s3], $0x80, $0x38;
	[tilespmem:$0x1E340] =	vst v63  }
0x68: {  	_ =	swait.ge [sflag:s5], $0x2000  }
0x69: {  	[sflag:s5] =	ssyncset.done $0x0  }
0x6a: {  	[sflag:s5] =	ssyncadd.s32 $0xFFFFE000  }
0x6b: {  	_ =	swait.ge [sflag:s6], $0x80  }
0x6c: {  	[sflag:s6] =	ssyncset.done $0x0  }
0x6d: {  	[sflag:s6] =	ssyncadd.s32 $0xFFFFFF80  }
0x6e: {  	[spmem:s2] =	stream.indirect.scatter.add.f32 [tilespmem:s30], [sflag:$0x5], $0x40, s31, s29, $0xb8;
	[tilespmem:$0x1E340] =	vst v63  }
0x6f: {  	s15 =	sand.u32 $0x60, s15;
	s19 =	sadd.s32 $0x80, s14;
	_ =	swait.ge [sflag:s24], $0x2000  }
0x70: {  	s15 =	sadd.s32 s4, s15;
	s20 =	sand.u32 $0x1FF80, s20;
	[sflag:s24] =	ssyncset.done $0x0  }
0x71: {  	s20 =	sadd.s32 s20, s15;
	s15 =	smov.u32 s18;
	[sflag:s24] =	ssyncadd.s32 $0xFFFFE000  }
0x72: {  	[tilespmem:s30], [sflag:$0x1] =	stream.indirect.gather [spmem:s1], $0x40, s19, s29, $0xb8;
	[tilespmem:$0x1E340] =	vst v63  }
0x73: {  	_ = 	snop  }
0x74: {  	[tilespmem:s31], [sflag:$0x3] =	stream.linear.gather [hbm4b:s20+s3], $0x80, $0x38;
	[tilespmem:$0x1E340] =	vst v63  }
0x75: {  	_ =	swait.ge [sflag:s10], $0x2000  }
0x76: {  	[sflag:s10] =	ssyncset.done $0x0  }
.Ltmp0:
0x77: {  	[sflag:s10] =	ssyncadd.s32 $0xFFFFE000;
	(pc) =	sbr.rel @p1 .LBB2_2-.Ltmp0, $4  }
0x78: {  	_ =	swait.ge [sflag:s11], $0x80  }
0x79: {  	[sflag:s11] =	ssyncset.done $0x0  }
0x7a: {  	s14 =	sadd.s32 $0x100, s14;
	s19 =	sadd.s32 $0x10, s17;
	[sflag:s11] =	ssyncadd.s32 $0xFFFFFF80  }
0x7b: {  	[spmem:s2] =	stream.indirect.scatter.add.f32 [tilespmem:s26], [sflag:$0x5], $0x40, s0, s29, $0xb8;
	[tilespmem:$0x1E340] =	vst v63  }
0x7c: {  	_ =	swait.ge [sflag:s24], $0x2000  }
0x7d: {  	s17 =	sadd.s32 s17, s8;
	s18 =	sand.u32 $0x70, s19;
	[sflag:s24] =	ssyncset.done $0x0  }
0x7e: {  	s21 =	sand.u32 $0x1FF80, s17;
	s18 =	sadd.s32 s4, s18;
	[sflag:s24] =	ssyncadd.s32 $0xFFFFE000  }
0x7f: {  	[tilespmem:s26], [sflag:$0x2] =	stream.indirect.gather [spmem:s1], $0x40, s14, s29, $0xb8;
	[tilespmem:$0x1E340] =	vst v63  }
0x80: {  	s18 =	sadd.s32 s21, s18  }
0x81: {  	[tilespmem:s0], [sflag:$0x4] =	stream.linear.gather [hbm4b:s18+s3], $0x80, $0x38;
	[tilespmem:$0x1E340] =	vst v63  }
0x82: {  	_ =	swait.ge [sflag:s5], $0x2000  }
0x83: {  	[sflag:s5] =	ssyncset.done $0x0  }
0x84: {  	[sflag:s5] =	ssyncadd.s32 $0xFFFFE000  }
0x85: {  	_ =	swait.ge [sflag:s6], $0x80  }
0x86: {  	[sflag:s6] =	ssyncset.done $0x0  }
0x87: {  	[sflag:s6] =	ssyncadd.s32 $0xFFFFFF80  }
0x88: {  	[spmem:s2] =	stream.indirect.scatter.add.f32 [tilespmem:s30], [sflag:$0x5], $0x40, s31, s29, $0xb8;
	[tilespmem:$0x1E340] =	vst v63  }
0x89: {  	s22 =	sadd.s32 $0x80, s14;
	_ =	swait.ge [sflag:s24], $0x2000  }
0x8a: {  	s15 =	sand.u32 $0x60, s15;
	s17 =	sadd.s32 $0x20, s17;
	[sflag:s24] =	ssyncset.done $0x0  }
0x8b: {  	s15 =	sadd.s32 s4, s15;
	s17 =	sand.u32 $0x1FF80, s17;
	[sflag:s24] =	ssyncadd.s32 $0xFFFFE000  }
0x8c: {  	[tilespmem:s30], [sflag:$0x1] =	stream.indirect.gather [spmem:s1], $0x40, s22, s29, $0xb8;
	[tilespmem:$0x1E340] =	vst v63  }
0x8d: {  	s17 =	sadd.s32 s17, s15  }
0x8e: {  	[tilespmem:s31], [sflag:$0x3] =	stream.linear.gather [hbm4b:s17+s3], $0x80, $0x38;
	[tilespmem:$0x1E340] =	vst v63  }
0x8f: {  	_ =	swait.ge [sflag:s10], $0x2000  }
0x90: {  	[sflag:s10] =	ssyncset.done $0x0  }
0x91: {  	[sflag:s10] =	ssyncadd.s32 $0xFFFFE000  }
0x92: {  	_ =	swait.ge [sflag:s11], $0x80  }
0x93: {  	[sflag:s11] =	ssyncset.done $0x0  }
0x94: {  	[sflag:s11] =	ssyncadd.s32 $0xFFFFFF80  }
0x95: {  	[spmem:s2] =	stream.indirect.scatter.add.f32 [tilespmem:s26], [sflag:$0x5], $0x40, s0, s29, $0xb8;
	[tilespmem:$0x1E340] =	vst v63  }
0x96: {  	_ =	swait.ge [sflag:s24], $0x2000  }
0x97: {  	[sflag:s24] =	ssyncset.done $0x0  }
0x98: {  	[sflag:s24] =	ssyncadd.s32 $0xFFFFE000  }
0x99: {  	[tilespmem:s26], [sflag:$0x2] =	stream.indirect.gather [spmem:s1], $0x40, s12, s29, $0xb8;
	[tilespmem:$0x1E340] =	vst v63  }
0x9a: {  	s18 =	simm.s32 $0x0;
	s19 =	rddreg [dreg:$0x11]  }
0x9b: {  	[tilespmem:s0], [sflag:$0x4] =	stream.linear.gather [hbm4b:s19+s18], $0x80, $0x38;
	[tilespmem:$0x1E340] =	vst v63  }
0x9c: {  	_ =	swait.ge [sflag:s5], $0x2000  }
0x9d: {  	[sflag:s5] =	ssyncset.done $0x0  }
0x9e: {  	[sflag:s5] =	ssyncadd.s32 $0xFFFFE000  }
0x9f: {  	_ =	swait.ge [sflag:s6], $0x80  }
0xa0: {  	[sflag:s6] =	ssyncset.done $0x0  }
0xa1: {  	[sflag:s6] =	ssyncadd.s32 $0xFFFFFF80  }
0xa2: {  	[spmem:s2] =	stream.indirect.scatter.add.f32 [tilespmem:s30], [sflag:$0x5], $0x40, s31, s29, $0xb8;
	[tilespmem:$0x1E340] =	vst v63  }
0xa3: {  	_ =	swait.ge [sflag:s24], $0x2000  }
0xa4: {  	[sflag:s24] =	ssyncset.done $0x0  }
0xa5: {  	[sflag:s24] =	ssyncadd.s32 $0xFFFFE000  }
0xa6: {  	_ =	swait.ge [sflag:s10], $0x2000  }
0xa7: {  	[sflag:s10] =	ssyncset.done $0x0  }
0xa8: {  	[sflag:s10] =	ssyncadd.s32 $0xFFFFE000  }
0xa9: {  	_ =	swait.ge [sflag:s11], $0x80  }
0xaa: {  	[sflag:s11] =	ssyncset.done $0x0  }
0xab: {  	[sflag:s11] =	ssyncadd.s32 $0xFFFFFF80  }
0xac: {  	[spmem:s2] =	stream.indirect.scatter.add.f32 [tilespmem:s26], [sflag:$0x5], $0x40, s0, s29, $0xb8;
	[tilespmem:$0x1E340] =	vst v63  }
0xad: {  	_ =	swait.ge [sflag:s24], $0x2000  }
0xae: {  	[sflag:s24] =	ssyncset.done $0x0  }
0xaf: {  	s20 =	rddreg [dreg:$0xd];
	[sflag:s24] =	ssyncadd.s32 $0xFFFFE000  }
0xb0: {  	[tilespmem:s28], [sflag:$0x5] =	stream.linear.gather [hbm4b:s20+s18], $0x2800, $0x38;
	[tilespmem:$0x1E340] =	vst v63  }
0xb1: {  	_ =	swait.ge [sflag:s24], $0x2800  }
0xb2: {  	[sflag:s24] =	ssyncset.done $0x0  }
0xb3: {  	[sflag:s24] =	ssyncadd.s32 $0xFFFFD800  }
0xb4: {  	[tilespmem:s30], [sflag:$0x1] =	stream.indirect.gather [spmem:s1], $0x40, s28, s29, $0xb8;
	[tilespmem:$0x1E340] =	vst v63  }
0xb5: {  	s21 =	rddreg [dreg:$0xe]  }
0xb6: {  	[tilespmem:s31], [sflag:$0x3] =	stream.linear.gather [hbm4b:s21+s18], $0x80, $0x38;
	[tilespmem:$0x1E340] =	vst v63  }
0xb7: {  	s22 =	sadd.s32 $0x0, s8;
	s18 =	simm.s32 $0x10  }
0xb8: {  	s19 =	sadd.s32 $0x500, s22;
	s15 =	sand.u32 $0x70, s18  }
0xb9: {  	s17 =	sand.u32 $0x3FF80, s19;
	s20 =	simm.s32 $0x13AC0;
	s15 =	sadd.s32 s4, s15  }
0xba: {  	[tilespmem:s26], [sflag:$0x2] =	stream.indirect.gather [spmem:s1], $0x40, s20, s29, $0xb8;
	[tilespmem:$0x1E340] =	vst v63  }
0xbb: {  	s15 =	sadd.s32 s17, s15  }
0xbc: {  	[tilespmem:s0], [sflag:$0x4] =	stream.linear.gather [hbm4b:s15+s3], $0x80, $0x38;
	[tilespmem:$0x1E340] =	vst v63  }
0xbd: {  	_ =	swait.ge [sflag:s5], $0x2000  }
0xbe: {  	[sflag:s5] =	ssyncset.done $0x0  }
0xbf: {  	[sflag:s5] =	ssyncadd.s32 $0xFFFFE000  }
0xc0: {  	_ =	swait.ge [sflag:s6], $0x80  }
0xc1: {  	[sflag:s6] =	ssyncset.done $0x0  }
0xc2: {  	[sflag:s6] =	ssyncadd.s32 $0xFFFFFF80  }
0xc3: {  	[spmem:s2] =	stream.indirect.scatter.add.f32 [tilespmem:s30], [sflag:$0x5], $0x40, s31, s29, $0xb8;
	[tilespmem:$0x1E340] =	vst v63  }
0xc4: {  	s14 =	sadd.s32 $0x520, s22;
	s21 =	simm.s32 $0x20;
	_ =	swait.ge [sflag:s24], $0x2000  }
0xc5: {  	s14 =	sand.u32 $0x3FF80, s14;
	s15 =	sand.u32 $0x60, s21;
	[sflag:s24] =	ssyncset.done $0x0  }
0xc6: {  	s22 =	simm.s32 $0x13B40;
	s15 =	sadd.s32 s4, s15;
	[sflag:s24] =	ssyncadd.s32 $0xFFFFE000  }
0xc7: {  	[tilespmem:s30], [sflag:$0x1] =	stream.indirect.gather [spmem:s1], $0x40, s22, s29, $0xb8;
	[tilespmem:$0x1E340] =	vst v63  }
0xc8: {  	s14 =	sadd.s32 s14, s15  }
0xc9: {  	[tilespmem:s31], [sflag:$0x3] =	stream.linear.gather [hbm4b:s14+s3], $0x80, $0x38;
	[tilespmem:$0x1E340] =	vst v63  }
0xca: {  	_ =	swait.ge [sflag:s10], $0x2000  }
0xcb: {  	[sflag:s10] =	ssyncset.done $0x0  }
0xcc: {  	[sflag:s10] =	ssyncadd.s32 $0xFFFFE000  }
0xcd: {  	s19 =	simm.s32 $0x30;
	_ =	swait.ge [sflag:s11], $0x80  }
0xce: {  	s18 =	sadd.s32 $0x20, s8;
	s17 =	simm.s32 $0x40;
	[sflag:s11] =	ssyncset.done $0x0  }
0xcf: {  	s15 =	simm.s32 $0x13BC0;
	s14 =	sand.u32 $0x60, s17;
	[sflag:s11] =	ssyncadd.s32 $0xFFFFFF80  }
0xd0: {  	[spmem:s2] =	stream.indirect.scatter.add.f32 [tilespmem:s26], [sflag:$0x5], $0x40, s0, s29, $0xb8;
	[tilespmem:$0x1E340] =	vst v63  }
.LBB2_4:
0xd1: {  	s20 =	sadd.s32 $0x500, s18  }
0xd2: {  	s19 =	sand.u32 $0x70, s19;
	_ =	swait.ge [sflag:s24], $0x2000;
	s21 =	smov.u32 s17  }
0xd3: {  	s20 =	sand.u32 $0x3FF80, s20;
	s19 =	sadd.s32 s4, s19;
	[sflag:s24] =	ssyncset.done $0x0  }
0xd4: {  	s18 =	sadd.s32 $0x520, s18;
	s19 =	sadd.s32 s20, s19;
	[sflag:s24] =	ssyncadd.s32 $0xFFFFE000  }
0xd5: {  	[tilespmem:s26], [sflag:$0x2] =	stream.indirect.gather [spmem:s1], $0x40, s15, s29, $0xb8;
	[tilespmem:$0x1E340] =	vst v63  }
0xd6: {  	p1 =	sne.s32 s17, $0x4C0;
	s17 =	sadd.s32 $0x20, s17;
	s18 =	sand.u32 $0x3FF80, s18  }
0xd7: {  	[tilespmem:s0], [sflag:$0x4] =	stream.linear.gather [hbm4b:s19+s3], $0x80, $0x38;
	[tilespmem:$0x1E340] =	vst v63  }
0xd8: {  	s19 =	sand.u32 $0x60, s17;
	_ =	swait.ge [sflag:s5], $0x2000  }
0xd9: {  	[sflag:s5] =	ssyncset.done $0x0  }
0xda: {  	[sflag:s5] =	ssyncadd.s32 $0xFFFFE000  }
0xdb: {  	_ =	swait.ge [sflag:s6], $0x80  }
0xdc: {  	[sflag:s6] =	ssyncset.done $0x0  }
0xdd: {  	[sflag:s6] =	ssyncadd.s32 $0xFFFFFF80  }
0xde: {  	[spmem:s2] =	stream.indirect.scatter.add.f32 [tilespmem:s30], [sflag:$0x5], $0x40, s31, s29, $0xb8;
	[tilespmem:$0x1E340] =	vst v63  }
0xdf: {  	s20 =	sadd.s32 $0x80, s15;
	_ =	swait.ge [sflag:s24], $0x2000  }
0xe0: {  	s22 =	sadd.s32 s4, s14;
	s14 =	smov.u32 s19;
	[sflag:s24] =	ssyncset.done $0x0  }
0xe1: {  	s18 =	sadd.s32 s18, s22;
	[sflag:s24] =	ssyncadd.s32 $0xFFFFE000  }
0xe2: {  	[tilespmem:s30], [sflag:$0x1] =	stream.indirect.gather [spmem:s1], $0x40, s20, s29, $0xb8;
	[tilespmem:$0x1E340] =	vst v63  }
0xe3: {  	_ = 	snop  }
0xe4: {  	[tilespmem:s31], [sflag:$0x3] =	stream.linear.gather [hbm4b:s18+s3], $0x80, $0x38;
	[tilespmem:$0x1E340] =	vst v63  }
0xe5: {  	_ =	swait.ge [sflag:s10], $0x2000  }
0xe6: {  	[sflag:s10] =	ssyncset.done $0x0  }
.Ltmp1:
0xe7: {  	[sflag:s10] =	ssyncadd.s32 $0xFFFFE000;
	(pc) =	sbr.rel @p1 .LBB2_4-.Ltmp1, $4  }
0xe8: {  	_ =	swait.ge [sflag:s11], $0x80  }
0xe9: {  	s15 =	sadd.s32 $0x100, s15;
	[sflag:s11] =	ssyncset.done $0x0  }
0xea: {  	s19 =	sadd.s32 $0x10, s21;
	s18 =	sadd.s32 s21, s8;
	[sflag:s11] =	ssyncadd.s32 $0xFFFFFF80  }
0xeb: {  	[spmem:s2] =	stream.indirect.scatter.add.f32 [tilespmem:s26], [sflag:$0x5], $0x40, s0, s29, $0xb8;
	[tilespmem:$0x1E340] =	vst v63  }
0xec: {  	_ =	swait.ge [sflag:s24], $0x2000  }
0xed: {  	s17 =	sadd.s32 $0x500, s18;
	s19 =	sand.u32 $0x70, s19;
	[sflag:s24] =	ssyncset.done $0x0  }
0xee: {  	s17 =	sand.u32 $0x3FF80, s17;
	s19 =	sadd.s32 s4, s19;
	[sflag:s24] =	ssyncadd.s32 $0xFFFFE000  }
0xef: {  	[tilespmem:s26], [sflag:$0x2] =	stream.indirect.gather [spmem:s1], $0x40, s15, s29, $0xb8;
	[tilespmem:$0x1E340] =	vst v63  }
0xf0: {  	s17 =	sadd.s32 s17, s19  }
0xf1: {  	[tilespmem:s0], [sflag:$0x4] =	stream.linear.gather [hbm4b:s17+s3], $0x80, $0x38;
	[tilespmem:$0x1E340] =	vst v63  }
0xf2: {  	_ =	swait.ge [sflag:s5], $0x2000  }
0xf3: {  	[sflag:s5] =	ssyncset.done $0x0  }
0xf4: {  	[sflag:s5] =	ssyncadd.s32 $0xFFFFE000  }
0xf5: {  	_ =	swait.ge [sflag:s6], $0x80  }
0xf6: {  	[sflag:s6] =	ssyncset.done $0x0  }
0xf7: {  	[sflag:s6] =	ssyncadd.s32 $0xFFFFFF80  }
0xf8: {  	[spmem:s2] =	stream.indirect.scatter.add.f32 [tilespmem:s30], [sflag:$0x5], $0x40, s31, s29, $0xb8;
	[tilespmem:$0x1E340] =	vst v63  }
0xf9: {  	_ =	swait.ge [sflag:s24], $0x2000  }
0xfa: {  	s22 =	sadd.s32 $0x520, s18;
	s18 =	sadd.s32 $0x80, s15;
	[sflag:s24] =	ssyncset.done $0x0  }
0xfb: {  	s14 =	sadd.s32 s4, s14;
	s17 =	sand.u32 $0x3FF80, s22;
	[sflag:s24] =	ssyncadd.s32 $0xFFFFE000  }
0xfc: {  	[tilespmem:s30], [sflag:$0x1] =	stream.indirect.gather [spmem:s1], $0x40, s18, s29, $0xb8;
	[tilespmem:$0x1E340] =	vst v63  }
0xfd: {  	s14 =	sadd.s32 s17, s14  }
0xfe: {  	[tilespmem:s31], [sflag:$0x3] =	stream.linear.gather [hbm4b:s14+s3], $0x80, $0x38;
	[tilespmem:$0x1E340] =	vst v63  }
0xff: {  	_ =	swait.ge [sflag:s10], $0x2000  }
0x100: {  	[sflag:s10] =	ssyncset.done $0x0  }
0x101: {  	[sflag:s10] =	ssyncadd.s32 $0xFFFFE000  }
0x102: {  	_ =	swait.ge [sflag:s11], $0x80  }
0x103: {  	[sflag:s11] =	ssyncset.done $0x0  }
0x104: {  	[sflag:s11] =	ssyncadd.s32 $0xFFFFFF80  }
0x105: {  	[spmem:s2] =	stream.indirect.scatter.add.f32 [tilespmem:s26], [sflag:$0x5], $0x40, s0, s29, $0xb8;
	[tilespmem:$0x1E340] =	vst v63  }
0x106: {  	_ =	swait.ge [sflag:s24], $0x2000  }
0x107: {  	[sflag:s24] =	ssyncset.done $0x0  }
0x108: {  	[sflag:s24] =	ssyncadd.s32 $0xFFFFE000  }
0x109: {  	[tilespmem:s26], [sflag:$0x2] =	stream.indirect.gather [spmem:s1], $0x40, s12, s29, $0xb8;
	[tilespmem:$0x1E340] =	vst v63  }
0x10a: {  	s19 =	rddreg [dreg:$0x12]  }
0x10b: {  	[tilespmem:s0], [sflag:$0x4] =	stream.linear.gather [hbm4b:s19+s3], $0x80, $0x38;
	[tilespmem:$0x1E340] =	vst v63  }
0x10c: {  	_ =	swait.ge [sflag:s5], $0x2000  }
0x10d: {  	[sflag:s5] =	ssyncset.done $0x0  }
0x10e: {  	[sflag:s5] =	ssyncadd.s32 $0xFFFFE000  }
0x10f: {  	_ =	swait.ge [sflag:s6], $0x80  }
0x110: {  	[sflag:s6] =	ssyncset.done $0x0  }
0x111: {  	[sflag:s6] =	ssyncadd.s32 $0xFFFFFF80  }
0x112: {  	[spmem:s2] =	stream.indirect.scatter.add.f32 [tilespmem:s30], [sflag:$0x5], $0x40, s31, s29, $0xb8;
	[tilespmem:$0x1E340] =	vst v63  }
0x113: {  	_ =	swait.ge [sflag:s24], $0x2000  }
0x114: {  	[sflag:s24] =	ssyncset.done $0x0  }
0x115: {  	[sflag:s24] =	ssyncadd.s32 $0xFFFFE000  }
0x116: {  	_ =	swait.ge [sflag:s10], $0x2000  }
0x117: {  	[sflag:s10] =	ssyncset.done $0x0  }
0x118: {  	[sflag:s10] =	ssyncadd.s32 $0xFFFFE000  }
0x119: {  	_ =	swait.ge [sflag:s11], $0x80  }
0x11a: {  	[sflag:s11] =	ssyncset.done $0x0  }
0x11b: {  	[sflag:s11] =	ssyncadd.s32 $0xFFFFFF80  }
0x11c: {  	[spmem:s2] =	stream.indirect.scatter.add.f32 [tilespmem:s26], [sflag:$0x5], $0x40, s0, s29, $0xb8;
	[tilespmem:$0x1E340] =	vst v63  }
0x11d: {  	_ =	swait.ge [sflag:s24], $0x2000  }
0x11e: {  	[sflag:s24] =	ssyncset.done $0x0  }
0x11f: {  	[sflag:s24] =	ssyncadd.s32 $0xFFFFE000  }
0x120: {  	[bflag:$0x0] =	sbarrier.arrive $0xFFFF  }
0x121: {  	s20 =	sshrl.u32 s9, $0x3;
	s21 =	rddreg [dreg:$0xf]  }
0x122: {  	[hbm:s21], [sflag:s7] =	dma.local [spmem:s20], $0x2780  }
0x123: {  	_ =	swait.ge [sflag:s24], $0x2780  }
0x124: {  	s13 =	sadd.s32 $0x1, s13;
	s22 =	rddreg [dreg:$0x10]  }
0x125: {  	p1 =	sne.s32 s13, s22  }
.Ltmp2:
0x126: {  	_ = 	snop;
	(pc) =	sbr.rel @p1 .LBB2_1-.Ltmp2, $3  }
0x127: {  	_ =	sdelay $0x1  }
0x128: {  	[sflag:s24] =	ssyncset.done $0x0  }
0x129: {  	[sflag:s24] =	ssyncadd.s32 $0xFFFFD880  }
0x12a: {  	_ =	sfence.sel $0x180000  }
0x12b: {  	[bflag:$0x0] =	sbarrier.arrive $0xFFFF  }
0x12c: {  	_ =	strace $0x90000047  }
0x12d: {  	[bflag:$0x2] =	sbarrier.arrive $0xFFFF  }
0x12e: {  	s0 =	rddreg [dreg:$0x4]  }
0x12f: {  	s0 =	sadd.s32 @!p0 $0x100000, s0  }
0x130: {  	[sflag:s0] =	ssyncadd.tile.s32 @!p0 $0x1;
	_ =	shalt  }
.Lfunc_end2:
_tile_overlayer_lowered:
.L_overlay_start_2:
0x131: {  	(tag) =	ssettag $0x2  }
0x132: {  	s0 =	rddreg [dreg:$0x0];
	s2 =	stileid.u32  }
0x133: {  	s1 =	rddreg [dreg:$0x1];
	p0 =	sne.s32 s2, $0x0  }
0x134: {  	s3 =	rddreg [dreg:$0x2];
	[bflag:$0x3] =	sbarrier.arrive $0xFFFF;
	s2 =	simm.s32 @!p0 $0x1C05  }
0x135: {  	[timem:s3], [sflag:s2] =	dma.local @!p0 [hbm:s0], s1  }
0x136: {  	s0 =	simm.s32 @!p0 $0x5  }
0x137: {  	_ =	swait.ge @!p0 [sflag:s0], s1  }
0x138: {  	s1 =	ssub.s32 @!p0 $0x0, s1;
	[sflag:s0] =	ssyncset.done @!p0 $0x0  }
0x139: {  	[sflag:s0] =	ssyncadd.s32 @!p0 s1  }
0x13a: {  	[bflag:$0x3] =	sbarrier.arrive $0xFFFF  }
0x13b: {  	_ =	shalt  }

// kernel: kernel.9.cloned.1.call-start
scs
__scs_entry_jumppad:
0x0: {  	(pc) =	sbr.rel $0x88, $3  }
0x1: {  	(tag) =	ssettag $0x0;
	lr =	simm.s32 $0x1  }
0x2: {  	[smem:$0x3F97] =	sst lr;
	_ =	strace $0xD0000000  }
0x3: {  	_ = 	snop  }
0x4: {  	_ = 	snop  }
0x5: {  	_ = 	snop  }
0x6: {  	_ = 	snop  }
0x7: {  	_ = 	snop  }
__scs_overlays_trampoline_lowered:
0x8: {  	[smem:$0x3FA6] =	sst s0  }
0x9: {  	[smem:$0x3FA7] =	sst s1  }
0xa: {  	[smem:$0x3FA8] =	sst s2  }
0xb: {  	[smem:$0x3FA9] =	sst s3  }
0xc: {  	[smem:$0x3FAA] =	sst s4  }
0xd: {  	[smem:$0x3FAB] =	sst s5  }
0xe: {  	[smem:$0x3FAC] =	sst s6  }
0xf: {  	[smem:$0x3FAD] =	sst s7  }
0x10: {  	[smem:$0x3FAE] =	sst s8  }
0x11: {  	[smem:$0x3FAF] =	sst s9;
	s0 =	simm.s32 @!p0 $0x0  }
0x12: {  	s1 =	sld [smem:$0x3F95];
	s0 =	simm.s32 @p0 $0x1  }
0x13: {  	[smem:$0x3FB0] =	sst s0;
	s0 =	simm.s32 @!p1 $0x0  }
0x14: {  	s2 =	sld [smem:$0x3F94];
	s0 =	simm.s32 @p1 $0x1  }
0x15: {  	[smem:$0x3FB1] =	sst s0;
	s0 =	simm.s32 @!p2 $0x0  }
0x16: {  	s3 =	sld [smem:$0x3FDB];
	s0 =	simm.s32 @p2 $0x1  }
0x17: {  	s4 =	simm.s32 $0x1BF5;
	[smem:$0x3FB3] =	sst s0  }
0x18: {  	s0 =	sld [smem:$0x3F96];
	_ =	swait.ge [sflag:s4], $0x0  }
0x19: {  	s7 =	sld [smem:$0x3F97]  }
0x1a: {  	s8 =	sadd.s32 $0xFFFFE003, lr  }
0x1b: {  	s9 =	sadd.s32 $0xFFFFFEF7, lr;
	s5 =	simm.s32 $0xFFFFFFFF;
	p2 =	slt.u32 s8, $0xFFFFF086  }
0x1c: {  	p1 =	slt.u32 s9, $0xF7A;
	s5 =	simm.s32 @!p2 $0x0  }
0x1d: {  	s5 =	simm.s32 @p1 $0x1;
	p0 =	seq.s32 s7, s2  }
0x1e: {  	s7 =	smul.u32 @!p0 $0xF7A, s2;
	p2 =	seq.s32 @!p0 s5, $0x0  }
0x1f: {  	s9 =	smul.u32 $0xF7A, s1;
	s8 =	simm.s32 @!p0 $0x1BF5;
	p2 =	por !p2, p0  }
0x20: {  	[sflag:s8] =	ssyncset.s32 @!p0 $0xFFFFF086;
	s6 =	sadd.s32 @!p0 s3, s7;
	s7 =	simm.s32 @!p0 $0x108  }
0x21: {  	s3 =	sadd.s32 s3, s9;
	s6 =	sadd.s32 @!p0 $0x88, s6;
	s7 =	simm.s32 @p2 $0x1082  }
0x22: {  	[simem:s7], [sflag:s8] =	dma.local @!p0 [hbm:s6], $0xF7A  }
0x23: {  	s9 =	sor.u32 $0xD0000000, s2;
	s6 =	simm.s32 $0x108;
	_ =	swait.ge @!p0 [sflag:s8], $0x0  }
0x24: {  	s3 =	sadd.s32 $0x88, s3;
	s6 =	simm.s32 @!p1 $0x1082;
	[sflag:s4] =	ssyncset.s32 $0xFFFFF086  }
0x25: {  	[simem:s6], [sflag:s4] =	dma.local [hbm:s3], $0xF7A  }
0x26: {  	[smem:$0x3F97] =	sst s1;
	(tag) =	ssettag s2;
	_ =	strace s9  }
0x27: {  	s1 =	sld [smem:$0x3FA7]  }
0x28: {  	s2 =	sld [smem:$0x3FA8]  }
0x29: {  	s4 =	sld [smem:$0x3FAA]  }
0x2a: {  	p0 =	seq.s32 s5, $0x0;
	s5 =	sld [smem:$0x3FAB]  }
0x2b: {  	s6 =	sld [smem:$0x3FAC]  }
0x2c: {  	s7 =	sld [smem:$0x3FAD]  }
0x2d: {  	s3 =	simm.s32 $0x108;
	s8 =	sld [smem:$0x3FAE]  }
0x2e: {  	s3 =	simm.s32 @!p0 $0x1082;
	s9 =	sld [smem:$0x3FAF]  }
0x2f: {  	lr =	sadd.s32 s0, s3;
	s0 =	sld [smem:$0x3FA6]  }
0x30: {  	s3 =	sld [smem:$0x3FA9]  }
0x31: {  	[smem:$0x3FB2] =	sst s10  }
0x32: {  	s10 =	sld [smem:$0x3FB0];
	_ =	sdelay $0x3  }
0x33: {  	p0 =	seq.s32 s10, $0x1;
	s10 =	sld [smem:$0x3FB2];
	_ =	sdelay $0x3  }
0x34: {  	[smem:$0x3FB2] =	sst s10  }
0x35: {  	s10 =	sld [smem:$0x3FB1];
	_ =	sdelay $0x3  }
0x36: {  	p1 =	seq.s32 s10, $0x1;
	s10 =	sld [smem:$0x3FB2];
	_ =	sdelay $0x3  }
0x37: {  	[smem:$0x3FB2] =	sst s10  }
0x38: {  	s10 =	sld [smem:$0x3FB3]  }
0x39: {  	_ = 	snop;
	(pc) =	sbr.ind lr, $3  }
0x3a: {  	_ = 	snop  }
0x3b: {  	_ = 	snop  }
0x3c: {  	p2 =	seq.s32 s10, $0x1;
	s10 =	sld [smem:$0x3FB2]  }
0x3d: {  	_ =	shalt  }
0x3e: {  	_ =	shalt  }
0x3f: {  	_ =	shalt  }
0x40: {  	_ =	shalt  }
0x41: {  	_ =	shalt  }
0x42: {  	_ =	shalt  }
0x43: {  	_ =	shalt  }
0x44: {  	_ =	shalt  }
0x45: {  	_ =	shalt  }
0x46: {  	_ =	shalt  }
0x47: {  	_ =	shalt  }
0x48: {  	_ =	shalt  }
0x49: {  	_ =	shalt  }
0x4a: {  	_ =	shalt  }
0x4b: {  	_ =	shalt  }
0x4c: {  	_ =	shalt  }
0x4d: {  	_ =	shalt  }
0x4e: {  	_ =	shalt  }
0x4f: {  	_ =	shalt  }
0x50: {  	_ =	shalt  }
0x51: {  	_ =	shalt  }
0x52: {  	_ =	shalt  }
0x53: {  	_ =	shalt  }
0x54: {  	_ =	shalt  }
0x55: {  	_ =	shalt  }
0x56: {  	_ =	shalt  }
0x57: {  	_ =	shalt  }
0x58: {  	_ =	shalt  }
0x59: {  	_ =	shalt  }
0x5a: {  	_ =	shalt  }
0x5b: {  	_ =	shalt  }
0x5c: {  	_ =	shalt  }
0x5d: {  	_ =	shalt  }
0x5e: {  	_ =	shalt  }
0x5f: {  	_ =	shalt  }
0x60: {  	_ =	shalt  }
0x61: {  	_ =	shalt  }
0x62: {  	_ =	shalt  }
0x63: {  	_ =	shalt  }
0x64: {  	_ =	shalt  }
0x65: {  	_ =	shalt  }
0x66: {  	_ =	shalt  }
0x67: {  	_ =	shalt  }
0x68: {  	_ =	shalt  }
0x69: {  	_ =	shalt  }
0x6a: {  	_ =	shalt  }
0x6b: {  	_ =	shalt  }
0x6c: {  	_ =	shalt  }
0x6d: {  	_ =	shalt  }
0x6e: {  	_ =	shalt  }
0x6f: {  	_ =	shalt  }
0x70: {  	_ =	shalt  }
0x71: {  	_ =	shalt  }
0x72: {  	_ =	shalt  }
0x73: {  	_ =	shalt  }
0x74: {  	_ =	shalt  }
0x75: {  	_ =	shalt  }
0x76: {  	_ =	shalt  }
0x77: {  	_ =	shalt  }
0x78: {  	_ =	shalt  }
0x79: {  	_ =	shalt  }
0x7a: {  	_ =	shalt  }
0x7b: {  	_ =	shalt  }
0x7c: {  	_ =	shalt  }
0x7d: {  	_ =	shalt  }
0x7e: {  	_ =	shalt  }
0x7f: {  	_ =	shalt  }
0x80: {  	_ =	shalt  }
0x81: {  	_ =	shalt  }
0x82: {  	_ =	shalt  }
0x83: {  	_ =	shalt  }
0x84: {  	_ =	shalt  }
0x85: {  	_ =	shalt  }
0x86: {  	_ =	shalt  }
0x87: {  	_ =	shalt  }
.Lfunc_end0:
.L_simem_size_0:
called_computation.1_lowered:
.L_overlay_start_0:
0x88: {  	s2 =	sld [smem:$0x3FD9]  }
0x89: {  	s3 =	sld [smem:$0x3FFE];
	_ =	sdelay $0x1  }
0x8a: {  	s1 =	srdreg.scid  }
0x8b: {  	s0 =	sand.u32 $0x1, s1  }
0x8c: {  	s17 =	sshll.u32 s0, $0xA;
	s2 =	sadd.s32 s3, s2  }
0x8d: {  	s2 =	sadd.s32 s2, s17  }
0x8e: {  	[smem:$0x3FBE] =	sst s2  }
0x8f: {  	_ = 	snop  }
0x90: {  	s2 =	sld [smem:$0x3FD0];
	(tm) =	ssettm $0x1  }
0x91: {  	s18 =	sld [smem:$0x3FFB];
	_ =	sdelay $0x3  }
0x92: {  	_ =	strace s18  }
0x93: {  	s3 =	sld [smem:$0x3FFC];
	_ =	sdelay $0x3  }
0x94: {  	_ =	strace s3  }
0x95: {  	s3 =	sld [smem:$0x3FFD];
	_ =	sdelay $0x3  }
0x96: {  	_ =	strace s3  }
0x97: {  	_ =	strace $0x8FFFFFFF  }
0x98: {  	s19 =	sld [smem:$0x3FDB];
	_ =	sdelay $0x1  }
0x99: {  	s4 =	simm.s32 $_scs_section_size  }
0x9a: {  	s5 =	simm.s32 $_size__tile_overlayer_lowered;
	s6 =	simm.s32 $_tile_overlayer_lowered  }
0x9b: {  	s22 =	simm.s32 $0x1BFF;
	s21 =	sshll.u32 s6, $0x1;
	s3 =	sadd.s32 s4, s19  }
0x9c: {  	s7 =	simm.s32 $0x0;
	s20 =	sshll.u32 s5, $0x1;
	s5 =	sadd.s32 s21, s3  }
0x9d: {  	[timem:s7], [sflag:s22] =	dma.local [hbm:s5], s20  }
0x9e: {  	_ =	swait.ge [sflag:s22], s20  }
0x9f: {  	s4 =	ssub.s32 $0x0, s20;
	[sflag:s22] =	ssyncset.done $0x0  }
0xa0: {  	[sflag:s22] =	ssyncadd.s32 s4;
	_ =	sdelay $0x1  }
0xa1: {  	s23 =	simm.s32 $0x1B8B  }
0xa2: {  	_ =	swait.ge [sflag:s23], $0x1  }
0xa3: {  	[sflag:s23] =	ssyncset.done $0x0  }
0xa4: {  	s25 =	simm.s32 $0x1B8E;
	s24 =	sld [smem:$0x3FFE];
	[sflag:s23] =	ssyncadd.s32 $0xFFFFFFFF  }
0xa5: {  	s26 =	simm.s32 $execute0_lowered;
	[smem:$0x3FD2] =	sst s25  }
0xa6: {  	s5 =	sshll.u32 s26, $0x1;
	_ =	strace $0x80000049;
	[dreg:$0x1] =	wrdreg $0xFFFFFFFF  }
0xa7: {  	s28 =	simm.s32 $_size_execute0_lowered;
	s3 =	sadd.s32 s3, s5;
	[dreg:$0x0] =	wrdreg $0x0  }
0xa8: {  	s5 =	sshll.u32 s28, $0x1;
	[dreg:$0x2] =	wrdreg s3  }
0xa9: {  	[dreg:$0x3] =	wrdreg s5  }
0xaa: {  	[dreg:$0x4] =	wrdreg $0xC0  }
0xab: {  	_ =	task [dreg:s7], $0x5FFFF  }
0xac: {  	[dreg:$0x1] =	wrdreg $0xFFFFFFFF  }
0xad: {  	[dreg:$0x0] =	wrdreg $0x60  }
0xae: {  	[dreg:$0x2] =	wrdreg s2  }
0xaf: {  	[dreg:$0x3] =	wrdreg s24  }
0xb0: {  	[dreg:$0x4] =	wrdreg $0x0  }
0xb1: {  	[dreg:$0x5] =	wrdreg $0x9C400  }
0xb2: {  	[dreg:$0x6] =	wrdreg $0x9  }
0xb3: {  	_ =	task.clear_ibuf [dreg:s7], $0x7FFFF;
	_ =	strace $0x90000049  }
0xb4: {  	s29 =	simm.s32 $0x9;
	_ =	strace $0x8000004B  }
0xb5: {  	_ =	swait.ge [sflag:s29], $0x1  }
0xb6: {  	[sflag:s29] =	ssyncadd.s32 $0xFFFFFFFF  }
0xb7: {  	_ =	strace $0x9000004B  }
0xb8: {  	_ =	sfence  }
0xb9: {  	s30 =	sld [smem:$0x0];
	_ =	sdelay $0x2  }
0xba: {  	s31 =	sshll.u32 s1, $0xD;
	s1 =	sshrl.u32 s1, $0x2  }
0xbb: {  	s3 =	sand.u32 $0x4000, s31;
	s1 =	sadd.s32 s1, s30  }
0xbc: {  	s0 =	sor.u32 s3, s0;
	s1 =	sshll.u32 s1, $0x11  }
0xbd: {  	s0 =	sor.u32 s1, s0  }
0xbe: {  	s0 =	sadd.s32 $0x8F2B, s0  }
0xbf: {  	[sflag:s0] =	ssyncadd.remote.s32 $0x1  }
0xc0: {  	_ =	sfence.sel $0xFFFF  }
0xc1: {  	[dreg:$0x0] =	wrdreg $0xFFFFFFFF;
	(pc) =	sbr.abs _section_cstart, $3  }
0xc2: {  	[dreg:$0x1] =	wrdreg $0xFFFFFFFF  }
0xc3: {  	_ =	task.clear_ibuf [dreg:s7], $0x2FFFF;
	_ =	strace $0x9FFFFFFF  }
0xc4: {  	(tm) =	ssettm $0x7FFFFFFF  }
0xc5: {  	_ =	shalt  }
tec
execute0_lowered:
.L_overlay_start_1:
0x0: {  	(tag) =	ssettag $0x1  }
0x1: {  	s1 =	rddreg [dreg:$0x0]  }
0x2: {  	s5 =	rddreg [dreg:$0x1]  }
0x3: {  	s0 =	rddreg [dreg:$0x2];
	s6 =	stileid.u32  }
0x4: {  	s3 =	srdreg.scid;
	s4 =	smul.u32 $0x5000, s6  }
0x5: {  	s2 =	rddreg [dreg:$0x3];
	s28 =	simm.s32 $0x13A40;
	s9 =	smul.u32 $0x13C00, s6  }
0x6: {  	s29 =	simm.s32 $0x80;
	s30 =	simm.s32 $0x16340;
	s21 =	smul.u32 $0x13800, s6  }
0x7: {  	s31 =	simm.s32 $0x16240;
	s7 =	sand.u32 $0x1, s3;
	s12 =	smul.u32 $0x4E000, s6  }
0x8: {  	s3 =	simm.s32 $0x0;
	s13 =	sadd.s32 $0x63A00, s5;
	s26 =	smul.u32 $0x4F000, s6  }
0x9: {  	s25 =	sshll.u32 s6, $0x6;
	s17 =	sadd.s32 $0x138000, s0;
	s8 =	smul.u32 $0x13C000, s7  }
0xa: {  	p0 =	sne.s32 s6, $0x0;
	[smem:$0x7FF] =	sst s3;
	s11 =	smul.u32 $0x138800, s7  }
0xb: {  	s7 =	ssub.s32 $0x2, s7;
	s4 =	sshrl.u32 s4, $0x3;
	_ =	strace $0x8000004A  }
0xc: {  	[dreg:$0x5] =	wrdreg s13;
	s22 =	sshrl.u32 s7, $0x1;
	s24 =	sshrl.u32 s12, $0x2  }
0xd: {  	s12 =	sshrl.u32 s26, $0x2;
	s10 =	sadd.s32 s4, s5;
	s4 =	sadd.s32 $0x1800, s5  }
0xe: {  	s8 =	sadd.s32 s9, s8;
	s14 =	ssub.s32 s7, s22;
	s23 =	sadd.s32 s21, s11  }
0xf: {  	s16 =	sadd.s32 s24, s0;
	s11 =	sshrl.u32 s11, $0x3;
	s9 =	smul.u32 $0xA00, s6  }
0x10: {  	s8 =	sshrl.u32 s8, $0x3;
	s7 =	sshrl.u32 s23, $0x3;
	s21 =	sadd.s32 $0xB800, s10  }
0x11: {  	s22 =	sadd.s32 $0xBD00, s10;
	s13 =	sadd.s32 s8, s5;
	[dreg:$0xc] =	wrdreg s21  }
0x12: {  	s7 =	sadd.s32 s1, s7;
	s1 =	sadd.s32 s1, s11;
	[dreg:$0xd] =	wrdreg s22  }
0x13: {  	s8 =	sadd.s32 s12, s2;
	[dreg:$0x6] =	wrdreg s7;
	s1 =	sadd.s32 $0x27000, s1  }
0x14: {  	s6 =	simm.s32 $0x3;
	s15 =	sadd.s32 $0x4000, s8;
	[dreg:$0x7] =	wrdreg s1  }
0x15: {  	s10 =	simm.s32 $0x2;
	s18 =	sadd.s32 $0x8000, s8;
	[dreg:$0x8] =	wrdreg s15  }
0x16: {  	s26 =	sadd.s32 s9, s5;
	s19 =	sadd.s32 $0xC000, s8;
	[dreg:$0x9] =	wrdreg s18  }
0x17: {  	s11 =	simm.s32 $0x4;
	s20 =	sadd.s32 $0x10000, s8;
	[dreg:$0xa] =	wrdreg s19  }
0x18: {  	s12 =	simm.s32 $0x161C0;
	s24 =	sadd.s32 $0x64200, s13;
	[dreg:$0xb] =	wrdreg s20  }
0x19: {  	s7 =	sor.u32 $0x1C05, s25;
	s25 =	smax.u32 s14, $0x1;
	[dreg:$0xf] =	wrdreg s24  }
0x1a: {  	s5 =	sadd.s32 $0x1CF0, s26;
	s13 =	simm.s32 $0x0;
	[dreg:$0x10] =	wrdreg s25  }
0x1b: {  	s15 =	sadd.s32 s4, s9;
	[dreg:$0x11] =	wrdreg s5;
	s1 =	sadd.s32 $0x21F0, s26  }
0x1c: {  	s24 =	simm.s32 $0x5;
	s25 =	sshrl.u32 @!p0 s17, $0x3;
	s26 =	simm.s32 $0x1A340  }
0x1d: {  	s5 =	simm.s32 $0x1;
	s23 =	sadd.s32 $0x500, s15;
	[dreg:$0x12] =	wrdreg s1  }
0x1e: {  	s1 =	simm.s32 $0x162C0;
	[dreg:$0xe] =	wrdreg s23;
	s23 =	sshrl.u32 s16, $0x3  }
.LBB2_1:
0x1f: {  	s14 =	rddreg [dreg:$0x6]  }
0x20: {  	[spmem:s23], [sflag:s7] =	dma.local [hbm:s14], $0x2700  }
0x21: {  	_ =	swait.ge [sflag:s24], $0x2700  }
0x22: {  	[sflag:s24] =	ssyncset.done $0x0  }
0x23: {  	s14 =	rddreg [dreg:$0x7];
	[sflag:s24] =	ssyncadd.s32 $0xFFFFD900  }
0x24: {  	[spmem:s25], [sflag:s7] =	dma.local @!p0 [hbm:s14], $0x100  }
0x25: {  	s14 =	simm.s32 @!p0 $0x5  }
0x26: {  	_ =	swait.ge @!p0 [sflag:s14], $0x100  }
0x27: {  	[sflag:s14] =	ssyncset.done @!p0 $0x0  }
0x28: {  	s20 =	rddreg [dreg:$0x5];
	[sflag:s14] =	ssyncadd.s32 @!p0 $0xFFFFFF00  }
0x29: {  	[tilespmem:s26], [sflag:$0x5] =	stream.linear.gather [hbm4b:s20+s3], $0x4000, $0x38;
	[tilespmem:$0x1E340] =	vst v63  }
0x2a: {  	_ =	swait.ge [sflag:s24], $0x4000  }
0x2b: {  	[sflag:s24] =	ssyncset.done $0x0  }
0x2c: {  	[sflag:s24] =	ssyncadd.s32 $0xFFFFC000  }
0x2d: {  	[spmem:s8] =	stream.linear.scatter [tilespmem:s26], [sflag:$0x5], $0x4000, $0x38;
	[tilespmem:$0x1E340] =	vst v63  }
0x2e: {  	_ =	swait.ge [sflag:s24], $0x4000  }
0x2f: {  	[sflag:s24] =	ssyncset.done $0x0  }
0x30: {  	s21 =	rddreg [dreg:$0x8];
	[sflag:s24] =	ssyncadd.s32 $0xFFFFC000  }
0x31: {  	[spmem:s21] =	stream.linear.scatter [tilespmem:s26], [sflag:$0x5], $0x4000, $0x38;
	[tilespmem:$0x1E340] =	vst v63  }
0x32: {  	_ =	swait.ge [sflag:s24], $0x4000  }
0x33: {  	[sflag:s24] =	ssyncset.done $0x0  }
0x34: {  	s22 =	rddreg [dreg:$0x9];
	[sflag:s24] =	ssyncadd.s32 $0xFFFFC000  }
0x35: {  	[spmem:s22] =	stream.linear.scatter [tilespmem:s26], [sflag:$0x5], $0x4000, $0x38;
	[tilespmem:$0x1E340] =	vst v63  }
0x36: {  	_ =	swait.ge [sflag:s24], $0x4000  }
0x37: {  	[sflag:s24] =	ssyncset.done $0x0  }
0x38: {  	s16 =	rddreg [dreg:$0xa];
	[sflag:s24] =	ssyncadd.s32 $0xFFFFC000  }
0x39: {  	[spmem:s16] =	stream.linear.scatter [tilespmem:s26], [sflag:$0x5], $0x4000, $0x38;
	[tilespmem:$0x1E340] =	vst v63  }
0x3a: {  	_ =	swait.ge [sflag:s24], $0x4000  }
0x3b: {  	[sflag:s24] =	ssyncset.done $0x0  }
0x3c: {  	s17 =	rddreg [dreg:$0xb];
	[sflag:s24] =	ssyncadd.s32 $0xFFFFC000  }
0x3d: {  	[spmem:s17] =	stream.linear.scatter [tilespmem:s26], [sflag:$0x5], $0x3C00, $0x38;
	[tilespmem:$0x1E340] =	vst v63  }
0x3e: {  	_ =	swait.ge [sflag:s24], $0x3C00  }
0x3f: {  	[sflag:s24] =	ssyncset.done $0x0  }
0x40: {  	[sflag:s24] =	ssyncadd.s32 $0xFFFFC400  }
0x41: {  	[bflag:$0x0] =	sbarrier.arrive $0xFFFF  }
0x42: {  	s18 =	rddreg [dreg:$0xc]  }
0x43: {  	[tilespmem:s28], [sflag:$0x5] =	stream.linear.gather [hbm4b:s18+s3], $0x2800, $0x38;
	[tilespmem:$0x1E340] =	vst v63  }
0x44: {  	_ =	swait.ge [sflag:s24], $0x2800  }
0x45: {  	[sflag:s24] =	ssyncset.done $0x0  }
0x46: {  	s19 =	simm.s32 $0x10;
	[sflag:s24] =	ssyncadd.s32 $0xFFFFD800  }
0x47: {  	[tilespmem:s30], [sflag:$0x1] =	stream.indirect.gather [spmem:s0], $0x40, s28, s29, $0xb8;
	[tilespmem:$0x1E340] =	vst v63  }
0x48: {  	s14 =	sand.u32 $0x70, s19;
	s16 =	sadd.s32 $0x0, s9  }
0x49: {  	[tilespmem:s31], [sflag:$0x3] =	stream.linear.gather [hbm4b:s15+s3], $0x80, $0x38;
	[tilespmem:$0x1E340] =	vst v63  }
0x4a: {  	s14 =	sadd.s32 s4, s14;
	s17 =	simm.s32 $0x13AC0;
	s18 =	sand.u32 $0x1FF80, s16  }
0x4b: {  	[tilespmem:s26], [sflag:$0x2] =	stream.indirect.gather [spmem:s0], $0x40, s17, s29, $0xb8;
	[tilespmem:$0x1E340] =	vst v63  }
0x4c: {  	s14 =	sadd.s32 s18, s14  }
0x4d: {  	[tilespmem:s1], [sflag:$0x4] =	stream.linear.gather [hbm4b:s14+s3], $0x80, $0x38;
	[tilespmem:$0x1E340] =	vst v63  }
0x4e: {  	_ =	swait.ge [sflag:s5], $0x2000  }
0x4f: {  	[sflag:s5] =	ssyncset.done $0x0  }
0x50: {  	[sflag:s5] =	ssyncadd.s32 $0xFFFFE000  }
0x51: {  	_ =	swait.ge [sflag:s6], $0x80  }
0x52: {  	[sflag:s6] =	ssyncset.done $0x0  }
0x53: {  	[sflag:s6] =	ssyncadd.s32 $0xFFFFFF80  }
0x54: {  	[spmem:s2] =	stream.indirect.scatter.add.f32 [tilespmem:s30], [sflag:$0x5], $0x40, s31, s29, $0xb8;
	[tilespmem:$0x1E340] =	vst v63  }
0x55: {  	s21 =	simm.s32 $0x13B40;
	s17 =	simm.s32 $0x20;
	_ =	swait.ge [sflag:s24], $0x2000  }
0x56: {  	s20 =	sadd.s32 $0x20, s16;
	s22 =	sand.u32 $0x60, s17;
	[sflag:s24] =	ssyncset.done $0x0  }
0x57: {  	s14 =	sand.u32 $0x1FF80, s20;
	s18 =	sadd.s32 s4, s22;
	[sflag:s24] =	ssyncadd.s32 $0xFFFFE000  }
0x58: {  	[tilespmem:s30], [sflag:$0x1] =	stream.indirect.gather [spmem:s0], $0x40, s21, s29, $0xb8;
	[tilespmem:$0x1E340] =	vst v63  }
0x59: {  	s14 =	sadd.s32 s14, s18  }
0x5a: {  	[tilespmem:s31], [sflag:$0x3] =	stream.linear.gather [hbm4b:s14+s3], $0x80, $0x38;
	[tilespmem:$0x1E340] =	vst v63  }
0x5b: {  	_ =	swait.ge [sflag:s10], $0x2000  }
0x5c: {  	[sflag:s10] =	ssyncset.done $0x0  }
0x5d: {  	[sflag:s10] =	ssyncadd.s32 $0xFFFFE000  }
0x5e: {  	_ =	swait.ge [sflag:s11], $0x80  }
0x5f: {  	s19 =	simm.s32 $0x30;
	s16 =	simm.s32 $0x40;
	[sflag:s11] =	ssyncset.done $0x0  }
0x60: {  	s18 =	simm.s32 $0x40;
	s14 =	simm.s32 $0x13BC0;
	[sflag:s11] =	ssyncadd.s32 $0xFFFFFF80  }
0x61: {  	[spmem:s2] =	stream.indirect.scatter.add.f32 [tilespmem:s26], [sflag:$0x5], $0x40, s1, s29, $0xb8;
	[tilespmem:$0x1E340] =	vst v63  }
.LBB2_2:
0x62: {  	s17 =	sadd.s32 s17, s9;
	s19 =	sand.u32 $0x70, s19;
	_ =	swait.ge [sflag:s24], $0x2000  }
0x63: {  	s20 =	sand.u32 $0x1FF80, s17;
	s19 =	sadd.s32 s4, s19;
	[sflag:s24] =	ssyncset.done $0x0  }
0x64: {  	s19 =	sadd.s32 s20, s19;
	s20 =	sadd.s32 $0x20, s17;
	[sflag:s24] =	ssyncadd.s32 $0xFFFFE000  }
0x65: {  	[tilespmem:s26], [sflag:$0x2] =	stream.indirect.gather [spmem:s0], $0x40, s14, s29, $0xb8;
	[tilespmem:$0x1E340] =	vst v63  }
0x66: {  	p1 =	sne.s32 s18, $0x4C0;
	s17 =	smov.u32 s18;
	s18 =	sadd.s32 $0x20, s18  }
0x67: {  	[tilespmem:s1], [sflag:$0x4] =	stream.linear.gather [hbm4b:s19+s3], $0x80, $0x38;
	[tilespmem:$0x1E340] =	vst v63  }
0x68: {  	_ =	swait.ge [sflag:s5], $0x2000  }
0x69: {  	[sflag:s5] =	ssyncset.done $0x0  }
0x6a: {  	[sflag:s5] =	ssyncadd.s32 $0xFFFFE000  }
0x6b: {  	_ =	swait.ge [sflag:s6], $0x80  }
0x6c: {  	[sflag:s6] =	ssyncset.done $0x0  }
0x6d: {  	[sflag:s6] =	ssyncadd.s32 $0xFFFFFF80  }
0x6e: {  	[spmem:s2] =	stream.indirect.scatter.add.f32 [tilespmem:s30], [sflag:$0x5], $0x40, s31, s29, $0xb8;
	[tilespmem:$0x1E340] =	vst v63  }
0x6f: {  	s16 =	sand.u32 $0x60, s16;
	s19 =	sadd.s32 $0x80, s14;
	_ =	swait.ge [sflag:s24], $0x2000  }
0x70: {  	s16 =	sadd.s32 s4, s16;
	s20 =	sand.u32 $0x1FF80, s20;
	[sflag:s24] =	ssyncset.done $0x0  }
0x71: {  	s20 =	sadd.s32 s20, s16;
	s16 =	smov.u32 s18;
	[sflag:s24] =	ssyncadd.s32 $0xFFFFE000  }
0x72: {  	[tilespmem:s30], [sflag:$0x1] =	stream.indirect.gather [spmem:s0], $0x40, s19, s29, $0xb8;
	[tilespmem:$0x1E340] =	vst v63  }
0x73: {  	_ = 	snop  }
0x74: {  	[tilespmem:s31], [sflag:$0x3] =	stream.linear.gather [hbm4b:s20+s3], $0x80, $0x38;
	[tilespmem:$0x1E340] =	vst v63  }
0x75: {  	_ =	swait.ge [sflag:s10], $0x2000  }
0x76: {  	[sflag:s10] =	ssyncset.done $0x0  }
.Ltmp0:
0x77: {  	[sflag:s10] =	ssyncadd.s32 $0xFFFFE000;
	(pc) =	sbr.rel @p1 .LBB2_2-.Ltmp0, $4  }
0x78: {  	_ =	swait.ge [sflag:s11], $0x80  }
0x79: {  	[sflag:s11] =	ssyncset.done $0x0  }
0x7a: {  	s14 =	sadd.s32 $0x100, s14;
	s19 =	sadd.s32 $0x10, s17;
	[sflag:s11] =	ssyncadd.s32 $0xFFFFFF80  }
0x7b: {  	[spmem:s2] =	stream.indirect.scatter.add.f32 [tilespmem:s26], [sflag:$0x5], $0x40, s1, s29, $0xb8;
	[tilespmem:$0x1E340] =	vst v63  }
0x7c: {  	_ =	swait.ge [sflag:s24], $0x2000  }
0x7d: {  	s17 =	sadd.s32 s17, s9;
	s18 =	sand.u32 $0x70, s19;
	[sflag:s24] =	ssyncset.done $0x0  }
0x7e: {  	s21 =	sand.u32 $0x1FF80, s17;
	s18 =	sadd.s32 s4, s18;
	[sflag:s24] =	ssyncadd.s32 $0xFFFFE000  }
0x7f: {  	[tilespmem:s26], [sflag:$0x2] =	stream.indirect.gather [spmem:s0], $0x40, s14, s29, $0xb8;
	[tilespmem:$0x1E340] =	vst v63  }
0x80: {  	s18 =	sadd.s32 s21, s18  }
0x81: {  	[tilespmem:s1], [sflag:$0x4] =	stream.linear.gather [hbm4b:s18+s3], $0x80, $0x38;
	[tilespmem:$0x1E340] =	vst v63  }
0x82: {  	_ =	swait.ge [sflag:s5], $0x2000  }
0x83: {  	[sflag:s5] =	ssyncset.done $0x0  }
0x84: {  	[sflag:s5] =	ssyncadd.s32 $0xFFFFE000  }
0x85: {  	_ =	swait.ge [sflag:s6], $0x80  }
0x86: {  	[sflag:s6] =	ssyncset.done $0x0  }
0x87: {  	[sflag:s6] =	ssyncadd.s32 $0xFFFFFF80  }
0x88: {  	[spmem:s2] =	stream.indirect.scatter.add.f32 [tilespmem:s30], [sflag:$0x5], $0x40, s31, s29, $0xb8;
	[tilespmem:$0x1E340] =	vst v63  }
0x89: {  	s22 =	sadd.s32 $0x80, s14;
	_ =	swait.ge [sflag:s24], $0x2000  }
0x8a: {  	s16 =	sand.u32 $0x60, s16;
	s17 =	sadd.s32 $0x20, s17;
	[sflag:s24] =	ssyncset.done $0x0  }
0x8b: {  	s16 =	sadd.s32 s4, s16;
	s17 =	sand.u32 $0x1FF80, s17;
	[sflag:s24] =	ssyncadd.s32 $0xFFFFE000  }
0x8c: {  	[tilespmem:s30], [sflag:$0x1] =	stream.indirect.gather [spmem:s0], $0x40, s22, s29, $0xb8;
	[tilespmem:$0x1E340] =	vst v63  }
0x8d: {  	s17 =	sadd.s32 s17, s16  }
0x8e: {  	[tilespmem:s31], [sflag:$0x3] =	stream.linear.gather [hbm4b:s17+s3], $0x80, $0x38;
	[tilespmem:$0x1E340] =	vst v63  }
0x8f: {  	_ =	swait.ge [sflag:s10], $0x2000  }
0x90: {  	[sflag:s10] =	ssyncset.done $0x0  }
0x91: {  	[sflag:s10] =	ssyncadd.s32 $0xFFFFE000  }
0x92: {  	_ =	swait.ge [sflag:s11], $0x80  }
0x93: {  	[sflag:s11] =	ssyncset.done $0x0  }
0x94: {  	[sflag:s11] =	ssyncadd.s32 $0xFFFFFF80  }
0x95: {  	[spmem:s2] =	stream.indirect.scatter.add.f32 [tilespmem:s26], [sflag:$0x5], $0x40, s1, s29, $0xb8;
	[tilespmem:$0x1E340] =	vst v63  }
0x96: {  	_ =	swait.ge [sflag:s24], $0x2000  }
0x97: {  	[sflag:s24] =	ssyncset.done $0x0  }
0x98: {  	[sflag:s24] =	ssyncadd.s32 $0xFFFFE000  }
0x99: {  	[tilespmem:s26], [sflag:$0x2] =	stream.indirect.gather [spmem:s0], $0x40, s12, s29, $0xb8;
	[tilespmem:$0x1E340] =	vst v63  }
0x9a: {  	s18 =	simm.s32 $0x0;
	s19 =	rddreg [dreg:$0x11]  }
0x9b: {  	[tilespmem:s1], [sflag:$0x4] =	stream.linear.gather [hbm4b:s19+s18], $0x80, $0x38;
	[tilespmem:$0x1E340] =	vst v63  }
0x9c: {  	_ =	swait.ge [sflag:s5], $0x2000  }
0x9d: {  	[sflag:s5] =	ssyncset.done $0x0  }
0x9e: {  	[sflag:s5] =	ssyncadd.s32 $0xFFFFE000  }
0x9f: {  	_ =	swait.ge [sflag:s6], $0x80  }
0xa0: {  	[sflag:s6] =	ssyncset.done $0x0  }
0xa1: {  	[sflag:s6] =	ssyncadd.s32 $0xFFFFFF80  }
0xa2: {  	[spmem:s2] =	stream.indirect.scatter.add.f32 [tilespmem:s30], [sflag:$0x5], $0x40, s31, s29, $0xb8;
	[tilespmem:$0x1E340] =	vst v63  }
0xa3: {  	_ =	swait.ge [sflag:s24], $0x2000  }
0xa4: {  	[sflag:s24] =	ssyncset.done $0x0  }
0xa5: {  	[sflag:s24] =	ssyncadd.s32 $0xFFFFE000  }
0xa6: {  	_ =	swait.ge [sflag:s10], $0x2000  }
0xa7: {  	[sflag:s10] =	ssyncset.done $0x0  }
0xa8: {  	[sflag:s10] =	ssyncadd.s32 $0xFFFFE000  }
0xa9: {  	_ =	swait.ge [sflag:s11], $0x80  }
0xaa: {  	[sflag:s11] =	ssyncset.done $0x0  }
0xab: {  	[sflag:s11] =	ssyncadd.s32 $0xFFFFFF80  }
0xac: {  	[spmem:s2] =	stream.indirect.scatter.add.f32 [tilespmem:s26], [sflag:$0x5], $0x40, s1, s29, $0xb8;
	[tilespmem:$0x1E340] =	vst v63  }
0xad: {  	_ =	swait.ge [sflag:s24], $0x2000  }
0xae: {  	[sflag:s24] =	ssyncset.done $0x0  }
0xaf: {  	s20 =	rddreg [dreg:$0xd];
	[sflag:s24] =	ssyncadd.s32 $0xFFFFE000  }
0xb0: {  	[tilespmem:s28], [sflag:$0x5] =	stream.linear.gather [hbm4b:s20+s18], $0x2800, $0x38;
	[tilespmem:$0x1E340] =	vst v63  }
0xb1: {  	_ =	swait.ge [sflag:s24], $0x2800  }
0xb2: {  	[sflag:s24] =	ssyncset.done $0x0  }
0xb3: {  	[sflag:s24] =	ssyncadd.s32 $0xFFFFD800  }
0xb4: {  	[tilespmem:s30], [sflag:$0x1] =	stream.indirect.gather [spmem:s0], $0x40, s28, s29, $0xb8;
	[tilespmem:$0x1E340] =	vst v63  }
0xb5: {  	s21 =	rddreg [dreg:$0xe]  }
0xb6: {  	[tilespmem:s31], [sflag:$0x3] =	stream.linear.gather [hbm4b:s21+s18], $0x80, $0x38;
	[tilespmem:$0x1E340] =	vst v63  }
0xb7: {  	s22 =	sadd.s32 $0x0, s9;
	s18 =	simm.s32 $0x10  }
0xb8: {  	s19 =	sadd.s32 $0x500, s22;
	s16 =	sand.u32 $0x70, s18  }
0xb9: {  	s17 =	sand.u32 $0x3FF80, s19;
	s20 =	simm.s32 $0x13AC0;
	s16 =	sadd.s32 s4, s16  }
0xba: {  	[tilespmem:s26], [sflag:$0x2] =	stream.indirect.gather [spmem:s0], $0x40, s20, s29, $0xb8;
	[tilespmem:$0x1E340] =	vst v63  }
0xbb: {  	s16 =	sadd.s32 s17, s16  }
0xbc: {  	[tilespmem:s1], [sflag:$0x4] =	stream.linear.gather [hbm4b:s16+s3], $0x80, $0x38;
	[tilespmem:$0x1E340] =	vst v63  }
0xbd: {  	_ =	swait.ge [sflag:s5], $0x2000  }
0xbe: {  	[sflag:s5] =	ssyncset.done $0x0  }
0xbf: {  	[sflag:s5] =	ssyncadd.s32 $0xFFFFE000  }
0xc0: {  	_ =	swait.ge [sflag:s6], $0x80  }
0xc1: {  	[sflag:s6] =	ssyncset.done $0x0  }
0xc2: {  	[sflag:s6] =	ssyncadd.s32 $0xFFFFFF80  }
0xc3: {  	[spmem:s2] =	stream.indirect.scatter.add.f32 [tilespmem:s30], [sflag:$0x5], $0x40, s31, s29, $0xb8;
	[tilespmem:$0x1E340] =	vst v63  }
0xc4: {  	s14 =	sadd.s32 $0x520, s22;
	s21 =	simm.s32 $0x20;
	_ =	swait.ge [sflag:s24], $0x2000  }
0xc5: {  	s14 =	sand.u32 $0x3FF80, s14;
	s16 =	sand.u32 $0x60, s21;
	[sflag:s24] =	ssyncset.done $0x0  }
0xc6: {  	s22 =	simm.s32 $0x13B40;
	s16 =	sadd.s32 s4, s16;
	[sflag:s24] =	ssyncadd.s32 $0xFFFFE000  }
0xc7: {  	[tilespmem:s30], [sflag:$0x1] =	stream.indirect.gather [spmem:s0], $0x40, s22, s29, $0xb8;
	[tilespmem:$0x1E340] =	vst v63  }
0xc8: {  	s14 =	sadd.s32 s14, s16  }
0xc9: {  	[tilespmem:s31], [sflag:$0x3] =	stream.linear.gather [hbm4b:s14+s3], $0x80, $0x38;
	[tilespmem:$0x1E340] =	vst v63  }
0xca: {  	_ =	swait.ge [sflag:s10], $0x2000  }
0xcb: {  	[sflag:s10] =	ssyncset.done $0x0  }
0xcc: {  	[sflag:s10] =	ssyncadd.s32 $0xFFFFE000  }
0xcd: {  	s19 =	simm.s32 $0x30;
	_ =	swait.ge [sflag:s11], $0x80  }
0xce: {  	s18 =	sadd.s32 $0x20, s9;
	s17 =	simm.s32 $0x40;
	[sflag:s11] =	ssyncset.done $0x0  }
0xcf: {  	s16 =	simm.s32 $0x13BC0;
	s14 =	sand.u32 $0x60, s17;
	[sflag:s11] =	ssyncadd.s32 $0xFFFFFF80  }
0xd0: {  	[spmem:s2] =	stream.indirect.scatter.add.f32 [tilespmem:s26], [sflag:$0x5], $0x40, s1, s29, $0xb8;
	[tilespmem:$0x1E340] =	vst v63  }
.LBB2_4:
0xd1: {  	s20 =	sadd.s32 $0x500, s18  }
0xd2: {  	s19 =	sand.u32 $0x70, s19;
	_ =	swait.ge [sflag:s24], $0x2000;
	s21 =	smov.u32 s17  }
0xd3: {  	s20 =	sand.u32 $0x3FF80, s20;
	s19 =	sadd.s32 s4, s19;
	[sflag:s24] =	ssyncset.done $0x0  }
0xd4: {  	s18 =	sadd.s32 $0x520, s18;
	s19 =	sadd.s32 s20, s19;
	[sflag:s24] =	ssyncadd.s32 $0xFFFFE000  }
0xd5: {  	[tilespmem:s26], [sflag:$0x2] =	stream.indirect.gather [spmem:s0], $0x40, s16, s29, $0xb8;
	[tilespmem:$0x1E340] =	vst v63  }
0xd6: {  	p1 =	sne.s32 s17, $0x4C0;
	s17 =	sadd.s32 $0x20, s17;
	s18 =	sand.u32 $0x3FF80, s18  }
0xd7: {  	[tilespmem:s1], [sflag:$0x4] =	stream.linear.gather [hbm4b:s19+s3], $0x80, $0x38;
	[tilespmem:$0x1E340] =	vst v63  }
0xd8: {  	s19 =	sand.u32 $0x60, s17;
	_ =	swait.ge [sflag:s5], $0x2000  }
0xd9: {  	[sflag:s5] =	ssyncset.done $0x0  }
0xda: {  	[sflag:s5] =	ssyncadd.s32 $0xFFFFE000  }
0xdb: {  	_ =	swait.ge [sflag:s6], $0x80  }
0xdc: {  	[sflag:s6] =	ssyncset.done $0x0  }
0xdd: {  	[sflag:s6] =	ssyncadd.s32 $0xFFFFFF80  }
0xde: {  	[spmem:s2] =	stream.indirect.scatter.add.f32 [tilespmem:s30], [sflag:$0x5], $0x40, s31, s29, $0xb8;
	[tilespmem:$0x1E340] =	vst v63  }
0xdf: {  	s20 =	sadd.s32 $0x80, s16;
	_ =	swait.ge [sflag:s24], $0x2000  }
0xe0: {  	s22 =	sadd.s32 s4, s14;
	s14 =	smov.u32 s19;
	[sflag:s24] =	ssyncset.done $0x0  }
0xe1: {  	s18 =	sadd.s32 s18, s22;
	[sflag:s24] =	ssyncadd.s32 $0xFFFFE000  }
0xe2: {  	[tilespmem:s30], [sflag:$0x1] =	stream.indirect.gather [spmem:s0], $0x40, s20, s29, $0xb8;
	[tilespmem:$0x1E340] =	vst v63  }
0xe3: {  	_ = 	snop  }
0xe4: {  	[tilespmem:s31], [sflag:$0x3] =	stream.linear.gather [hbm4b:s18+s3], $0x80, $0x38;
	[tilespmem:$0x1E340] =	vst v63  }
0xe5: {  	_ =	swait.ge [sflag:s10], $0x2000  }
0xe6: {  	[sflag:s10] =	ssyncset.done $0x0  }
.Ltmp1:
0xe7: {  	[sflag:s10] =	ssyncadd.s32 $0xFFFFE000;
	(pc) =	sbr.rel @p1 .LBB2_4-.Ltmp1, $4  }
0xe8: {  	_ =	swait.ge [sflag:s11], $0x80  }
0xe9: {  	s16 =	sadd.s32 $0x100, s16;
	[sflag:s11] =	ssyncset.done $0x0  }
0xea: {  	s19 =	sadd.s32 $0x10, s21;
	s18 =	sadd.s32 s21, s9;
	[sflag:s11] =	ssyncadd.s32 $0xFFFFFF80  }
0xeb: {  	[spmem:s2] =	stream.indirect.scatter.add.f32 [tilespmem:s26], [sflag:$0x5], $0x40, s1, s29, $0xb8;
	[tilespmem:$0x1E340] =	vst v63  }
0xec: {  	_ =	swait.ge [sflag:s24], $0x2000  }
0xed: {  	s17 =	sadd.s32 $0x500, s18;
	s19 =	sand.u32 $0x70, s19;
	[sflag:s24] =	ssyncset.done $0x0  }
0xee: {  	s17 =	sand.u32 $0x3FF80, s17;
	s19 =	sadd.s32 s4, s19;
	[sflag:s24] =	ssyncadd.s32 $0xFFFFE000  }
0xef: {  	[tilespmem:s26], [sflag:$0x2] =	stream.indirect.gather [spmem:s0], $0x40, s16, s29, $0xb8;
	[tilespmem:$0x1E340] =	vst v63  }
0xf0: {  	s17 =	sadd.s32 s17, s19  }
0xf1: {  	[tilespmem:s1], [sflag:$0x4] =	stream.linear.gather [hbm4b:s17+s3], $0x80, $0x38;
	[tilespmem:$0x1E340] =	vst v63  }
0xf2: {  	_ =	swait.ge [sflag:s5], $0x2000  }
0xf3: {  	[sflag:s5] =	ssyncset.done $0x0  }
0xf4: {  	[sflag:s5] =	ssyncadd.s32 $0xFFFFE000  }
0xf5: {  	_ =	swait.ge [sflag:s6], $0x80  }
0xf6: {  	[sflag:s6] =	ssyncset.done $0x0  }
0xf7: {  	[sflag:s6] =	ssyncadd.s32 $0xFFFFFF80  }
0xf8: {  	[spmem:s2] =	stream.indirect.scatter.add.f32 [tilespmem:s30], [sflag:$0x5], $0x40, s31, s29, $0xb8;
	[tilespmem:$0x1E340] =	vst v63  }
0xf9: {  	_ =	swait.ge [sflag:s24], $0x2000  }
0xfa: {  	s22 =	sadd.s32 $0x520, s18;
	s18 =	sadd.s32 $0x80, s16;
	[sflag:s24] =	ssyncset.done $0x0  }
0xfb: {  	s14 =	sadd.s32 s4, s14;
	s17 =	sand.u32 $0x3FF80, s22;
	[sflag:s24] =	ssyncadd.s32 $0xFFFFE000  }
0xfc: {  	[tilespmem:s30], [sflag:$0x1] =	stream.indirect.gather [spmem:s0], $0x40, s18, s29, $0xb8;
	[tilespmem:$0x1E340] =	vst v63  }
0xfd: {  	s14 =	sadd.s32 s17, s14  }
0xfe: {  	[tilespmem:s31], [sflag:$0x3] =	stream.linear.gather [hbm4b:s14+s3], $0x80, $0x38;
	[tilespmem:$0x1E340] =	vst v63  }
0xff: {  	_ =	swait.ge [sflag:s10], $0x2000  }
0x100: {  	[sflag:s10] =	ssyncset.done $0x0  }
0x101: {  	[sflag:s10] =	ssyncadd.s32 $0xFFFFE000  }
0x102: {  	_ =	swait.ge [sflag:s11], $0x80  }
0x103: {  	[sflag:s11] =	ssyncset.done $0x0  }
0x104: {  	[sflag:s11] =	ssyncadd.s32 $0xFFFFFF80  }
0x105: {  	[spmem:s2] =	stream.indirect.scatter.add.f32 [tilespmem:s26], [sflag:$0x5], $0x40, s1, s29, $0xb8;
	[tilespmem:$0x1E340] =	vst v63  }
0x106: {  	_ =	swait.ge [sflag:s24], $0x2000  }
0x107: {  	[sflag:s24] =	ssyncset.done $0x0  }
0x108: {  	[sflag:s24] =	ssyncadd.s32 $0xFFFFE000  }
0x109: {  	[tilespmem:s26], [sflag:$0x2] =	stream.indirect.gather [spmem:s0], $0x40, s12, s29, $0xb8;
	[tilespmem:$0x1E340] =	vst v63  }
0x10a: {  	s19 =	rddreg [dreg:$0x12]  }
0x10b: {  	[tilespmem:s1], [sflag:$0x4] =	stream.linear.gather [hbm4b:s19+s3], $0x80, $0x38;
	[tilespmem:$0x1E340] =	vst v63  }
0x10c: {  	_ =	swait.ge [sflag:s5], $0x2000  }
0x10d: {  	[sflag:s5] =	ssyncset.done $0x0  }
0x10e: {  	[sflag:s5] =	ssyncadd.s32 $0xFFFFE000  }
0x10f: {  	_ =	swait.ge [sflag:s6], $0x80  }
0x110: {  	[sflag:s6] =	ssyncset.done $0x0  }
0x111: {  	[sflag:s6] =	ssyncadd.s32 $0xFFFFFF80  }
0x112: {  	[spmem:s2] =	stream.indirect.scatter.add.f32 [tilespmem:s30], [sflag:$0x5], $0x40, s31, s29, $0xb8;
	[tilespmem:$0x1E340] =	vst v63  }
0x113: {  	_ =	swait.ge [sflag:s24], $0x2000  }
0x114: {  	[sflag:s24] =	ssyncset.done $0x0  }
0x115: {  	[sflag:s24] =	ssyncadd.s32 $0xFFFFE000  }
0x116: {  	_ =	swait.ge [sflag:s10], $0x2000  }
0x117: {  	[sflag:s10] =	ssyncset.done $0x0  }
0x118: {  	[sflag:s10] =	ssyncadd.s32 $0xFFFFE000  }
0x119: {  	_ =	swait.ge [sflag:s11], $0x80  }
0x11a: {  	[sflag:s11] =	ssyncset.done $0x0  }
0x11b: {  	[sflag:s11] =	ssyncadd.s32 $0xFFFFFF80  }
0x11c: {  	[spmem:s2] =	stream.indirect.scatter.add.f32 [tilespmem:s26], [sflag:$0x5], $0x40, s1, s29, $0xb8;
	[tilespmem:$0x1E340] =	vst v63  }
0x11d: {  	_ =	swait.ge [sflag:s24], $0x2000  }
0x11e: {  	[sflag:s24] =	ssyncset.done $0x0  }
0x11f: {  	[sflag:s24] =	ssyncadd.s32 $0xFFFFE000  }
0x120: {  	[bflag:$0x0] =	sbarrier.arrive $0xFFFF  }
0x121: {  	s20 =	sshrl.u32 s8, $0x3;
	s21 =	rddreg [dreg:$0xf]  }
0x122: {  	[hbm:s21], [sflag:s7] =	dma.local [spmem:s20], $0x2780  }
0x123: {  	_ =	swait.ge [sflag:s24], $0x2780  }
0x124: {  	s13 =	sadd.s32 $0x1, s13;
	s22 =	rddreg [dreg:$0x10]  }
0x125: {  	p1 =	sne.s32 s13, s22  }
.Ltmp2:
0x126: {  	_ = 	snop;
	(pc) =	sbr.rel @p1 .LBB2_1-.Ltmp2, $3  }
0x127: {  	_ =	sdelay $0x1  }
0x128: {  	[sflag:s24] =	ssyncset.done $0x0  }
0x129: {  	[sflag:s24] =	ssyncadd.s32 $0xFFFFD880  }
0x12a: {  	_ =	sfence.sel $0x180000  }
0x12b: {  	[bflag:$0x0] =	sbarrier.arrive $0xFFFF  }
0x12c: {  	_ =	strace $0x9000004A  }
0x12d: {  	[bflag:$0x2] =	sbarrier.arrive $0xFFFF  }
0x12e: {  	s0 =	rddreg [dreg:$0x4]  }
0x12f: {  	s0 =	sadd.s32 @!p0 $0x100000, s0  }
0x130: {  	[sflag:s0] =	ssyncadd.tile.s32 @!p0 $0x1;
	_ =	shalt  }
.Lfunc_end2:
_tile_overlayer_lowered:
.L_overlay_start_2:
0x131: {  	(tag) =	ssettag $0x2  }
0x132: {  	s0 =	rddreg [dreg:$0x0];
	s2 =	stileid.u32  }
0x133: {  	s1 =	rddreg [dreg:$0x1];
	p0 =	sne.s32 s2, $0x0  }
0x134: {  	s3 =	rddreg [dreg:$0x2];
	[bflag:$0x3] =	sbarrier.arrive $0xFFFF;
	s2 =	simm.s32 @!p0 $0x1C05  }
0x135: {  	[timem:s3], [sflag:s2] =	dma.local @!p0 [hbm:s0], s1  }
0x136: {  	s0 =	simm.s32 @!p0 $0x5  }
0x137: {  	_ =	swait.ge @!p0 [sflag:s0], s1  }
0x138: {  	s1 =	ssub.s32 @!p0 $0x0, s1;
	[sflag:s0] =	ssyncset.done @!p0 $0x0  }
0x139: {  	[sflag:s0] =	ssyncadd.s32 @!p0 s1  }
0x13a: {  	[bflag:$0x3] =	sbarrier.arrive $0xFFFF  }
0x13b: {  	_ =	shalt  }

</sc_bundles>
